<compile_context>
chip_gen: v7x
topology: tpu7x:2x2x1
jax: 0.10.2.dev20260603
libtpu: 0.0.44.dev20260713+nightly
codegen_flags: <defaults>
</compile_context>

<pallas_src>
import functools

import jax
import jax.numpy as jnp
from jax import lax
from jax.experimental import pallas as pl
from jax.experimental.pallas import tpu as pltpu
from jax.experimental.pallas import tpu_sc as plsc

B = 8
N = 4096
S = 512
K = 32
M = B * S * K
RADIUS_SQ = 1.0
NTILES = 32
SPT = S // (NTILES // B)
TPB = NTILES // B
CPT = SPT * K



def _fps_body(cp_ref, far0_ref, scout_ref, ssq_ref):
    x = cp_ref[0]
    y = cp_ref[1]
    z = cp_ref[2]
    ssq_ref[...] = (x * x + y * y) + z * z
    iota = lax.broadcasted_iota(jnp.int32, (B, N), 1)
    iota_s = lax.broadcasted_iota(jnp.int32, (B, S), 1)

    def body(i, carry):
        dist, far, sx, sy, sz = carry
        oh = iota == far
        cxs = jnp.sum(jnp.where(oh, x, 0.0), axis=1, keepdims=True)
        cys = jnp.sum(jnp.where(oh, y, 0.0), axis=1, keepdims=True)
        czs = jnp.sum(jnp.where(oh, z, 0.0), axis=1, keepdims=True)
        hit = iota_s == i
        sx = jnp.where(hit, cxs, sx)
        sy = jnp.where(hit, cys, sy)
        sz = jnp.where(hit, czs, sz)
        dx = x - cxs
        dy = y - cys
        dz = z - czs
        d = (dx * dx + dy * dy) + dz * dz
        dist = jnp.minimum(dist, d)
        m = jnp.max(dist, axis=1, keepdims=True)
        far = jnp.min(jnp.where(dist == m, iota, jnp.int32(N)), axis=1,
                      keepdims=True)
        return dist, far, sx, sy, sz

    dist0 = jnp.full((B, N), jnp.inf, dtype=jnp.float32)
    z0 = jnp.zeros((B, S), dtype=jnp.float32)
    _, _, sx, sy, sz = lax.fori_loop(
        0, S, body, (dist0, far0_ref[...], z0, z0, z0))
    scout_ref[0] = sx
    scout_ref[1] = sy
    scout_ref[2] = sz


def _run_fps(coords_p, far0):
    return pl.pallas_call(
        _fps_body,
        out_shape=(
            jax.ShapeDtypeStruct((3, B, S), jnp.float32),
            jax.ShapeDtypeStruct((B, N), jnp.float32),
        ),
    )(coords_p, far0)



def _rne_bf16(v):
    u = lax.bitcast_convert_type(v, jnp.uint32)
    r = (u + jnp.uint32(0x7FFF) + ((u >> 16) & jnp.uint32(1))) \
        & jnp.uint32(0xFFFF0000)
    return lax.bitcast_convert_type(r, jnp.float32)


def _group_body(coords_hbm, data_hbm, cent_hbm, ssq_hbm, out_hbm,
                cx, cy, cz, dx, dy, dz, ssq, cen,
                cxb, cyb, czb, cenb, idxb, featb):
    wid = lax.axis_index("s") * 2 + lax.axis_index("c")
    b = wid // TPB
    q = wid % TPB

    pltpu.sync_copy(coords_hbm.at[pl.ds((b * 3 + 0) * N, N)], cx)
    pltpu.sync_copy(coords_hbm.at[pl.ds((b * 3 + 1) * N, N)], cy)
    pltpu.sync_copy(coords_hbm.at[pl.ds((b * 3 + 2) * N, N)], cz)
    pltpu.sync_copy(data_hbm.at[pl.ds((b * 3 + 0) * N, N)], dx)
    pltpu.sync_copy(data_hbm.at[pl.ds((b * 3 + 1) * N, N)], dy)
    pltpu.sync_copy(data_hbm.at[pl.ds((b * 3 + 2) * N, N)], dz)
    pltpu.sync_copy(ssq_hbm.at[pl.ds(b * N, N)], ssq)
    for c in range(3):
        pltpu.sync_copy(cent_hbm.at[pl.ds((b * 3 + c) * S + q * SPT, SPT)],
                        cen.at[pl.ds(c * SPT, SPT)])

    def rnd_pts(i, _):
        sl = pl.ds(i * 16, 16)
        cxb[sl] = _rne_bf16(cx[sl])
        cyb[sl] = _rne_bf16(cy[sl])
        czb[sl] = _rne_bf16(cz[sl])
        return 0

    lax.fori_loop(0, N // 16, rnd_pts, 0)

    def rnd_cen(i, _):
        sl = pl.ds(i * 16, 16)
        cenb[sl] = _rne_bf16(cen[sl])
        return 0

    lax.fori_loop(0, (3 * SPT) // 16, rnd_cen, 0)

    def row_body(r, _):
        lane = lax.broadcasted_iota(jnp.int32, (16,), 0)
        sx = cen[pl.ds(0 * SPT + r, 16)][0]
        sy = cen[pl.ds(1 * SPT + r, 16)][0]
        sz = cen[pl.ds(2 * SPT + r, 16)][0]
        sxb = cenb[pl.ds(0 * SPT + r, 16)][0]
        syb = cenb[pl.ds(1 * SPT + r, 16)][0]
        szb = cenb[pl.ds(2 * SPT + r, 16)][0]
        cs2 = (sx * sx + sy * sy) + sz * sz

        UNROLL = 2

        def chunk(c, cnt):
            srts = []
            pops = []
            for t in range(UNROLL):
                base = c * (16 * UNROLL) + t * 16
                xv = cxb[pl.ds(base, 16)]
                yv = cyb[pl.ds(base, 16)]
                zv = czb[pl.ds(base, 16)]
                sv = ssq[pl.ds(base, 16)]
                dot = (sxb * xv + syb * yv) + szb * zv
                sq = (-2.0 * dot + cs2) + sv
                mask = sq <= RADIUS_SQ
                key = jnp.where(mask, lane + base, jnp.int32(1 << 20))
                _, srt = plsc.sort_key_val(key, key)
                srts.append(srt)
                pops.append(plsc.all_reduce_population_count(mask)[0])
            for t in range(UNROLL):
                live = cnt < K
                idxb[pl.ds(jnp.minimum(cnt, K), 16)] = jnp.where(
                    live, srts[t], jnp.int32(1 << 20))
                cnt = cnt + jnp.where(live, pops[t], 0)
            return cnt

        def sup(si, cnt):
            per = 16 // UNROLL
            return lax.cond(
                cnt < K,
                lambda c: lax.fori_loop(si * per, si * per + per, chunk, c),
                lambda c: c,
                cnt)

        cnt = lax.fori_loop(0, N // 256, sup, jnp.int32(0))

        first = idxb[pl.ds(0, 16)][0]
        for j in range(2):
            v = idxb[pl.ds(16 * j, 16)]
            v = jnp.where(lane + 16 * j < cnt, v, first)
            iv = v
            gx = plsc.load_gather(cx, [iv]) - sx
            gy = plsc.load_gather(cy, [iv]) - sy
            gz = plsc.load_gather(cz, [iv]) - sz
            o = r * K + 16 * j
            featb[pl.ds(0 * CPT + o, 16)] = gx
            featb[pl.ds(1 * CPT + o, 16)] = gy
            featb[pl.ds(2 * CPT + o, 16)] = gz
            featb[pl.ds(3 * CPT + o, 16)] = plsc.load_gather(dx, [iv])
            featb[pl.ds(4 * CPT + o, 16)] = plsc.load_gather(dy, [iv])
            featb[pl.ds(5 * CPT + o, 16)] = plsc.load_gather(dz, [iv])
        return 0

    lax.fori_loop(0, SPT, row_body, 0)
    for ch in range(6):
        pltpu.sync_copy(featb.at[pl.ds(ch * CPT, CPT)],
                        out_hbm.at[pl.ds(ch * M + wid * CPT, CPT)])


def _run_group(coords_p, data_p, cent, ssq):
    mesh = plsc.VectorSubcoreMesh(core_axis_name="c", subcore_axis_name="s")
    f = functools.partial(
        pl.kernel,
        mesh=mesh,
        compiler_params=pltpu.CompilerParams(needs_layout_passes=False),
        out_type=jax.ShapeDtypeStruct((6 * M,), jnp.float32),
        scratch_types=[
            pltpu.VMEM((N,), jnp.float32),
            pltpu.VMEM((N,), jnp.float32),
            pltpu.VMEM((N,), jnp.float32),
            pltpu.VMEM((N,), jnp.float32),
            pltpu.VMEM((N,), jnp.float32),
            pltpu.VMEM((N,), jnp.float32),
            pltpu.VMEM((N,), jnp.float32),
            pltpu.VMEM((3 * SPT + 16,), jnp.float32),
            pltpu.VMEM((N,), jnp.float32),
            pltpu.VMEM((N,), jnp.float32),
            pltpu.VMEM((N,), jnp.float32),
            pltpu.VMEM((3 * SPT + 16,), jnp.float32),
            pltpu.VMEM((K + 16,), jnp.int32),
            pltpu.VMEM((6 * CPT,), jnp.float32),
        ],
    )(_group_body)
    out = f(coords_p.reshape(-1), data_p.reshape(-1), cent.reshape(-1),
            ssq.reshape(-1))
    return out.reshape(6, M)



MLP_BLK = 4096
NF = float(M)


def _l1_body(x_ref, w_ref, b_ref, y_ref, s_ref, ss_ref):
    y = jnp.dot(w_ref[...], x_ref[...],
                preferred_element_type=jnp.float32) + b_ref[...]
    y_ref[...] = y

    @pl.when(pl.program_id(0) == 0)
    def _():
        s_ref[...] = jnp.zeros_like(s_ref)
        ss_ref[...] = jnp.zeros_like(ss_ref)

    s_ref[...] += jnp.sum(y, axis=1, keepdims=True)
    ss_ref[...] += jnp.sum(y * y, axis=1, keepdims=True)


def _lmid_body(x_ref, s_ref, ss_ref, g_ref, be_ref, w_ref, b_ref,
               y_ref, s2_ref, ss2_ref):
    mean = s_ref[...] / NF
    var = ss_ref[...] / NF - mean * mean
    scale = g_ref[...] / jnp.sqrt(var + 1e-5)
    shift = be_ref[...] - mean * scale
    xn = jnp.maximum(x_ref[...] * scale + shift, 0.0)
    y = jnp.dot(w_ref[...], xn,
                preferred_element_type=jnp.float32) + b_ref[...]
    y_ref[...] = y

    @pl.when(pl.program_id(0) == 0)
    def _():
        s2_ref[...] = jnp.zeros_like(s2_ref)
        ss2_ref[...] = jnp.zeros_like(ss2_ref)

    s2_ref[...] += jnp.sum(y, axis=1, keepdims=True)
    ss2_ref[...] += jnp.sum(y * y, axis=1, keepdims=True)


def _l4_body(x_ref, s_ref, ss_ref, g_ref, be_ref, out_ref):
    mean = s_ref[...] / NF
    var = ss_ref[...] / NF - mean * mean
    scale = (g_ref[...] / jnp.sqrt(var + 1e-5))[:, :, None]
    shift = (be_ref[...] - (s_ref[...] / NF) * scale[:, :, 0])[:, :, None]
    xn = jnp.maximum(x_ref[...] * scale + shift, 0.0)
    out_ref[...] = jnp.max(xn, axis=-1)


def _run_mlp(feats, W0, b0, g0, be0, W1, b1, g1, be1, W2, b2, g2, be2):
    col = lambda v: v.reshape(-1, 1)
    nblk = M // MLP_BLK
    x1, s1, ss1 = pl.pallas_call(
        _l1_body,
        grid=(nblk,),
        in_specs=[
            pl.BlockSpec((6, MLP_BLK), lambda i: (0, i)),
            pl.BlockSpec((32, 6), lambda i: (0, 0)),
            pl.BlockSpec((32, 1), lambda i: (0, 0)),
        ],
        out_specs=(
            pl.BlockSpec((32, MLP_BLK), lambda i: (0, i)),
            pl.BlockSpec((32, 1), lambda i: (0, 0)),
            pl.BlockSpec((32, 1), lambda i: (0, 0)),
        ),
        out_shape=(
            jax.ShapeDtypeStruct((32, M), jnp.float32),
            jax.ShapeDtypeStruct((32, 1), jnp.float32),
            jax.ShapeDtypeStruct((32, 1), jnp.float32),
        ),
    )(feats, W0, col(b0))

    def mid(x, s, ss, g, be, Wn, bn, cin, cout):
        return pl.pallas_call(
            _lmid_body,
            grid=(nblk,),
            in_specs=[
                pl.BlockSpec((cin, MLP_BLK), lambda i: (0, i)),
                pl.BlockSpec((cin, 1), lambda i: (0, 0)),
                pl.BlockSpec((cin, 1), lambda i: (0, 0)),
                pl.BlockSpec((cin, 1), lambda i: (0, 0)),
                pl.BlockSpec((cin, 1), lambda i: (0, 0)),
                pl.BlockSpec((cout, cin), lambda i: (0, 0)),
                pl.BlockSpec((cout, 1), lambda i: (0, 0)),
            ],
            out_specs=(
                pl.BlockSpec((cout, MLP_BLK), lambda i: (0, i)),
                pl.BlockSpec((cout, 1), lambda i: (0, 0)),
                pl.BlockSpec((cout, 1), lambda i: (0, 0)),
            ),
            out_shape=(
                jax.ShapeDtypeStruct((cout, M), jnp.float32),
                jax.ShapeDtypeStruct((cout, 1), jnp.float32),
                jax.ShapeDtypeStruct((cout, 1), jnp.float32),
            ),
        )(x, s, ss, col(g), col(be), Wn, col(bn))

    x2, s2, ss2 = mid(x1, s1, ss1, g0, be0, W1, b1, 32, 32)
    x3, s3, ss3 = mid(x2, s2, ss2, g1, be1, W2, b2, 32, 64)

    x3v = x3.reshape(64, B * S, K)
    GBLK = 128
    feats_out = pl.pallas_call(
        _l4_body,
        grid=(B * S // GBLK,),
        in_specs=[
            pl.BlockSpec((64, GBLK, K), lambda i: (0, i, 0)),
            pl.BlockSpec((64, 1), lambda i: (0, 0)),
            pl.BlockSpec((64, 1), lambda i: (0, 0)),
            pl.BlockSpec((64, 1), lambda i: (0, 0)),
            pl.BlockSpec((64, 1), lambda i: (0, 0)),
        ],
        out_specs=pl.BlockSpec((64, GBLK), lambda i: (0, i)),
        out_shape=jax.ShapeDtypeStruct((64, B * S), jnp.float32),
    )(x3v, s3, ss3, col(g2), col(be2))
    return feats_out



def kernel(coords, data, W0, b0, g0, be0, W1, b1, g1, be1, W2, b2, g2, be2):
    coords_p = jnp.transpose(coords, (0, 2, 1))
    data_p = jnp.transpose(data, (0, 2, 1))
    far0 = jax.random.randint(jax.random.key(1), (B,), 0, N)
    far0 = far0.astype(jnp.int32).reshape(B, 1)

    scout, ssq = _run_fps(jnp.transpose(coords_p, (1, 0, 2)), far0)
    sample_coords = jnp.transpose(scout, (1, 2, 0))
    cent = jnp.transpose(scout, (1, 0, 2))

    feats6 = _run_group(coords_p, data_p, cent, ssq)

    fo = _run_mlp(feats6, W0, b0, g0, be0, W1, b1, g1, be1,
                  W2, b2, g2, be2)
    sample_feats = jnp.transpose(fo, (1, 0)).reshape(B, S, 64)
    return sample_coords, sample_feats

# --- scband reference (transcript-rebuilt; emitter-appended) ---
"""Pipeline reference for scband-point-net-set-abstraction-28982439313472 (READ-ONLY COPY).

The authoritative reference and input builder live on the scoring server;
editing this copy changes nothing except your own understanding.
"""

import jax, jax.numpy as jnp
import numpy as np

SAMPLE_NUM = 512
RADIUS = 1.0
NSAMPLE = 32


def squared_dist_mat(src, dst):
    d = -2.0 * jnp.matmul(src, jnp.swapaxes(dst, 1, 2))
    d = d + jnp.sum(src ** 2, -1)[:, :, None]
    d = d + jnp.sum(dst ** 2, -1)[:, None, :]
    return d


def farthest_point_sampling(coords, sample_num, key):
    B, N, _ = coords.shape
    farthest = jax.random.randint(key, (B,), 0, N).astype(jnp.int32)
    dist = jnp.full((B, N), jnp.inf, dtype=coords.dtype)
    idxs = jnp.zeros((B, sample_num), dtype=jnp.int32)

    def body(i, carry):
        idxs, dist, far = carry
        idxs = idxs.at[:, i].set(far)
        centroid = coords[jnp.arange(B), far][:, None, :]
        d = jnp.sum((coords - centroid) ** 2, axis=-1)
        dist = jnp.minimum(dist, d)
        far = jnp.argmax(dist, axis=-1).astype(jnp.int32)
        return (idxs, dist, far)

    idxs, _, _ = jax.lax.fori_loop(0, sample_num, body, (idxs, dist, farthest))
    return idxs


def select_data(data, idx):
    B = data.shape[0]
    batch = jnp.arange(B).reshape((B,) + (1,) * (idx.ndim - 1))
    return data[batch, idx]


def group_points_to_samples(radius, nsample, coords, sample_coords):
    B, N, _ = coords.shape
    S = sample_coords.shape[1]
    sq = squared_dist_mat(sample_coords, coords)
    idx = jnp.broadcast_to(jnp.arange(N, dtype=jnp.int32), (B, S, N))
    idx = jnp.where(sq > radius ** 2, jnp.int32(N), idx)
    idx = jnp.sort(idx, axis=-1)[:, :, :nsample]
    first = idx[:, :, :1]
    idx = jnp.where(idx == N, jnp.broadcast_to(first, idx.shape), idx)
    return idx


def setup_inputs(seed: int = 0) -> dict:
    key = jax.random.key(seed)
    ks = jax.random.split(key, 16)
    B, N = 8, 4096
    coords = jax.random.normal(ks[0], (B, N, 3), dtype=jnp.float32)
    data = jax.random.normal(ks[1], (B, N, 3), dtype=jnp.float32)
    chans = [6, 32, 32, 64]
    inp = {"coords": coords, "data": data}
    for li in range(3):
        cin, cout = chans[li], chans[li + 1]
        inp[f"W{li}"] = jax.random.normal(ks[2 + li], (cout, cin), dtype=jnp.float32) * 0.1
        inp[f"b{li}"] = jnp.zeros((cout,), dtype=jnp.float32)
        inp[f"g{li}"] = jnp.ones((cout,), dtype=jnp.float32)
        inp[f"be{li}"] = jnp.zeros((cout,), dtype=jnp.float32)
    return inp


def reference(coords, data, W0, b0, g0, be0, W1, b1, g1, be1, W2, b2, g2, be2):
    B, N, _ = coords.shape
    fps_idx = farthest_point_sampling(coords, SAMPLE_NUM, jax.random.key(1))
    sample_coords = select_data(coords, fps_idx)
    grouped_idx = group_points_to_samples(RADIUS, NSAMPLE, coords, sample_coords)
    grouped_coords = select_data(coords, grouped_idx)
    grouped_rel = grouped_coords - sample_coords[:, :, None, :]
    grouped_pts = select_data(data, grouped_idx)
    new_points = jnp.concatenate([grouped_rel, grouped_pts], axis=-1)
    x = jnp.transpose(new_points, (0, 3, 2, 1))  # [B, C, G, S]
    for W, b, g, be in ((W0, b0, g0, be0), (W1, b1, g1, be1), (W2, b2, g2, be2)):
        x = jnp.einsum('oc,bcgs->bogs', W, x) + b[None, :, None, None]
        mean = jnp.mean(x, axis=(0, 2, 3), keepdims=True)
        var = jnp.var(x, axis=(0, 2, 3), keepdims=True)
        x = g[None, :, None, None] * (x - mean) / jnp.sqrt(var + 1e-5) + be[None, :, None, None]
        x = jax.nn.relu(x)
    feats = jnp.max(x, axis=2)  # [B, F, S]
    sample_feats = jnp.transpose(feats, (0, 2, 1))  # [B, S, F]
    return sample_coords, sample_feats

if __name__ == "__main__":
    import jax
    _d = setup_inputs()
    print(jax.jit(kernel)(*tuple(_d.values())))

</pallas_src>

<mosaic_0001>
#map = affine_map<(d0, d1) -> (0)>
module attributes {stable_mosaic.version = 14 : i64} {
  func.func @_group_body(%arg0: i32, %arg1: i32, %arg2: memref<98304xf32, #tpu.memory_space<hbm>>, %arg3: memref<98304xf32, #tpu.memory_space<hbm>>, %arg4: memref<12288xf32, #tpu.memory_space<hbm>>, %arg5: memref<32768xf32, #tpu.memory_space<hbm>>, %arg6: memref<786432xf32, #tpu.memory_space<hbm>>, %arg7: memref<4096xf32, #tpu.memory_space<vmem>>, %arg8: memref<4096xf32, #tpu.memory_space<vmem>>, %arg9: memref<4096xf32, #tpu.memory_space<vmem>>, %arg10: memref<4096xf32, #tpu.memory_space<vmem>>, %arg11: memref<4096xf32, #tpu.memory_space<vmem>>, %arg12: memref<4096xf32, #tpu.memory_space<vmem>>, %arg13: memref<4096xf32, #tpu.memory_space<vmem>>, %arg14: memref<400xf32, #tpu.memory_space<vmem>>, %arg15: memref<4096xf32, #tpu.memory_space<vmem>>, %arg16: memref<4096xf32, #tpu.memory_space<vmem>>, %arg17: memref<4096xf32, #tpu.memory_space<vmem>>, %arg18: memref<400xf32, #tpu.memory_space<vmem>>, %arg19: memref<48xi32, #tpu.memory_space<vmem>>, %arg20: memref<24576xf32, #tpu.memory_space<vmem>>) attributes {dimension_semantics = [#tpu.dimension_semantics<core_parallel>, #tpu.dimension_semantics<subcore_parallel>], iteration_bounds = array<i64: 2, 16>, scalar_prefetch = 0 : i64, scratch_operands = 14 : i64, tpu.core_type = #tpu.core_type<sc_vector_subcore>, window_params = [{transform_indices = #map}, {transform_indices = #map}, {transform_indices = #map}, {transform_indices = #map}, {transform_indices = #map}]} {
    %mul3A = arith.constant 2 : i32
    %mul3A_0 = arith.muli %arg1, %mul3A : i32
    %add3A = arith.addi %mul3A_0, %arg0 : i32
    %jit3A = arith.constant 4 : i32
    %div3A = arith.divsi %add3A, %jit3A : i32
    %sign3A = arith.constant 0 : i32
    %sign3A_1 = arith.cmpi sgt, %add3A, %sign3A : i32
    %sign3A_2 = arith.extui %sign3A_1 : i1 to i32
    %sign3A_3 = arith.constant 0 : i32
    %sign3A_4 = arith.cmpi slt, %add3A, %sign3A_3 : i32
    %sign3A_5 = arith.extui %sign3A_4 : i1 to i32
    %sign3A_6 = arith.subi %sign3A_2, %sign3A_5 : i32
    %sign3A_7 = arith.constant 0 : i32
    %sign3A_8 = arith.cmpi sgt, %jit3A, %sign3A_7 : i32
    %sign3A_9 = arith.extui %sign3A_8 : i1 to i32
    %sign3A_10 = arith.constant 0 : i32
    %sign3A_11 = arith.cmpi slt, %jit3A, %sign3A_10 : i32
    %sign3A_12 = arith.extui %sign3A_11 : i1 to i32
    %sign3A_13 = arith.subi %sign3A_9, %sign3A_12 : i32
    %ne3A = arith.cmpi ne, %sign3A_6, %sign3A_13 : i32
    %rem3A = arith.remsi %add3A, %jit3A : i32
    %ne3A_14 = arith.constant 0 : i32
    %ne3A_15 = arith.cmpi ne, %rem3A, %ne3A_14 : i32
    %and3A = arith.andi %ne3A, %ne3A_15 : i1
    %sub3A = arith.constant 1 : i32
    %sub3A_16 = arith.subi %div3A, %sub3A : i32
    %select_n3A = arith.select %and3A, %sub3A_16, %div3A : i32
    %jit3A_17 = arith.constant 4 : i32
    %eq3A = arith.constant 0 : i32
    %eq3A_18 = arith.cmpi eq, %jit3A_17, %eq3A : i32
    %jit3A_19 = arith.constant 1 : i32
    %select_n3A_20 = arith.select %eq3A_18, %jit3A_19, %jit3A_17 : i32
    %rem3A_21 = arith.remsi %add3A, %select_n3A_20 : i32
    %ne3A_22 = arith.constant 0 : i32
    %ne3A_23 = arith.cmpi ne, %rem3A_21, %ne3A_22 : i32
    %lt3A = arith.constant 0 : i32
    %lt3A_24 = arith.cmpi slt, %rem3A_21, %lt3A : i32
    %lt3A_25 = arith.constant 0 : i32
    %lt3A_26 = arith.cmpi slt, %select_n3A_20, %lt3A_25 : i32
    %ne3A_27 = arith.xori %lt3A_24, %lt3A_26 : i1
    %and3A_28 = arith.andi %ne3A_27, %ne3A_23 : i1
    %add3A_29 = arith.addi %rem3A_21, %select_n3A_20 : i32
    %select_n3A_30 = arith.select %and3A_28, %add3A_29, %rem3A_21 : i32
    %mul3A_31 = arith.constant 3 : i32
    %mul3A_32 = arith.muli %select_n3A, %mul3A_31 : i32
    %add3A_33 = arith.constant 0 : i32
    %add3A_34 = arith.addi %mul3A_32, %add3A_33 : i32
    %mul3A_35 = arith.constant 4096 : i32
    %mul3A_36 = arith.muli %add3A_34, %mul3A_35 : i32
    "tpu.region"() ({
      %run_scoped3A = tpu.sem_alloc : memref<!tpu.dma_semaphore, #tpu.memory_space<semaphore_mem>>
      %dma_start3A = tpu.memref_slice %arg2[%mul3A_36] : memref<98304xf32, #tpu.memory_space<hbm>> -> memref<4096xf32, #tpu.memory_space<hbm>>
      %dma_start3A_140 = tpu.memref_slice %arg2[%mul3A_36] : memref<98304xf32, #tpu.memory_space<hbm>> -> memref<4096xf32, #tpu.memory_space<hbm>>
      tpu.enqueue_dma source(%dma_start3A_140 : memref<4096xf32, #tpu.memory_space<hbm>>) target(%arg7 : memref<4096xf32, #tpu.memory_space<vmem>>) target_semaphore(%run_scoped3A : memref<!tpu.dma_semaphore, #tpu.memory_space<semaphore_mem>>)
      %dma_wait3A = tpu.memref_slice %arg2[%mul3A_36] : memref<98304xf32, #tpu.memory_space<hbm>> -> memref<4096xf32, #tpu.memory_space<hbm>>
      %dma_wait3A_141 = tpu.memref_slice %arg2[%mul3A_36] : memref<98304xf32, #tpu.memory_space<hbm>> -> memref<4096xf32, #tpu.memory_space<hbm>>
      tpu.wait_dma2 semaphore(%run_scoped3A : memref<!tpu.dma_semaphore, #tpu.memory_space<semaphore_mem>>) src(%dma_wait3A_141 : memref<4096xf32, #tpu.memory_space<hbm>>) dst(%arg7 : memref<4096xf32, #tpu.memory_space<vmem>>)
      tpu.yield
    }) : () -> ()
    %mul3A_37 = arith.constant 3 : i32
    %mul3A_38 = arith.muli %select_n3A, %mul3A_37 : i32
    %add3A_39 = arith.constant 1 : i32
    %add3A_40 = arith.addi %mul3A_38, %add3A_39 : i32
    %mul3A_41 = arith.constant 4096 : i32
    %mul3A_42 = arith.muli %add3A_40, %mul3A_41 : i32
    "tpu.region"() ({
      %run_scoped3A = tpu.sem_alloc : memref<!tpu.dma_semaphore, #tpu.memory_space<semaphore_mem>>
      %dma_start3A = tpu.memref_slice %arg2[%mul3A_42] : memref<98304xf32, #tpu.memory_space<hbm>> -> memref<4096xf32, #tpu.memory_space<hbm>>
      %dma_start3A_140 = tpu.memref_slice %arg2[%mul3A_42] : memref<98304xf32, #tpu.memory_space<hbm>> -> memref<4096xf32, #tpu.memory_space<hbm>>
      tpu.enqueue_dma source(%dma_start3A_140 : memref<4096xf32, #tpu.memory_space<hbm>>) target(%arg8 : memref<4096xf32, #tpu.memory_space<vmem>>) target_semaphore(%run_scoped3A : memref<!tpu.dma_semaphore, #tpu.memory_space<semaphore_mem>>)
      %dma_wait3A = tpu.memref_slice %arg2[%mul3A_42] : memref<98304xf32, #tpu.memory_space<hbm>> -> memref<4096xf32, #tpu.memory_space<hbm>>
      %dma_wait3A_141 = tpu.memref_slice %arg2[%mul3A_42] : memref<98304xf32, #tpu.memory_space<hbm>> -> memref<4096xf32, #tpu.memory_space<hbm>>
      tpu.wait_dma2 semaphore(%run_scoped3A : memref<!tpu.dma_semaphore, #tpu.memory_space<semaphore_mem>>) src(%dma_wait3A_141 : memref<4096xf32, #tpu.memory_space<hbm>>) dst(%arg8 : memref<4096xf32, #tpu.memory_space<vmem>>)
      tpu.yield
    }) : () -> ()
    %mul3A_43 = arith.constant 3 : i32
    %mul3A_44 = arith.muli %select_n3A, %mul3A_43 : i32
    %add3A_45 = arith.constant 2 : i32
    %add3A_46 = arith.addi %mul3A_44, %add3A_45 : i32
    %mul3A_47 = arith.constant 4096 : i32
    %mul3A_48 = arith.muli %add3A_46, %mul3A_47 : i32
    "tpu.region"() ({
      %run_scoped3A = tpu.sem_alloc : memref<!tpu.dma_semaphore, #tpu.memory_space<semaphore_mem>>
      %dma_start3A = tpu.memref_slice %arg2[%mul3A_48] : memref<98304xf32, #tpu.memory_space<hbm>> -> memref<4096xf32, #tpu.memory_space<hbm>>
      %dma_start3A_140 = tpu.memref_slice %arg2[%mul3A_48] : memref<98304xf32, #tpu.memory_space<hbm>> -> memref<4096xf32, #tpu.memory_space<hbm>>
      tpu.enqueue_dma source(%dma_start3A_140 : memref<4096xf32, #tpu.memory_space<hbm>>) target(%arg9 : memref<4096xf32, #tpu.memory_space<vmem>>) target_semaphore(%run_scoped3A : memref<!tpu.dma_semaphore, #tpu.memory_space<semaphore_mem>>)
      %dma_wait3A = tpu.memref_slice %arg2[%mul3A_48] : memref<98304xf32, #tpu.memory_space<hbm>> -> memref<4096xf32, #tpu.memory_space<hbm>>
      %dma_wait3A_141 = tpu.memref_slice %arg2[%mul3A_48] : memref<98304xf32, #tpu.memory_space<hbm>> -> memref<4096xf32, #tpu.memory_space<hbm>>
      tpu.wait_dma2 semaphore(%run_scoped3A : memref<!tpu.dma_semaphore, #tpu.memory_space<semaphore_mem>>) src(%dma_wait3A_141 : memref<4096xf32, #tpu.memory_space<hbm>>) dst(%arg9 : memref<4096xf32, #tpu.memory_space<vmem>>)
      tpu.yield
    }) : () -> ()
    %mul3A_49 = arith.constant 3 : i32
    %mul3A_50 = arith.muli %select_n3A, %mul3A_49 : i32
    %add3A_51 = arith.constant 0 : i32
    %add3A_52 = arith.addi %mul3A_50, %add3A_51 : i32
    %mul3A_53 = arith.constant 4096 : i32
    %mul3A_54 = arith.muli %add3A_52, %mul3A_53 : i32
    "tpu.region"() ({
      %run_scoped3A = tpu.sem_alloc : memref<!tpu.dma_semaphore, #tpu.memory_space<semaphore_mem>>
      %dma_start3A = tpu.memref_slice %arg3[%mul3A_54] : memref<98304xf32, #tpu.memory_space<hbm>> -> memref<4096xf32, #tpu.memory_space<hbm>>
      %dma_start3A_140 = tpu.memref_slice %arg3[%mul3A_54] : memref<98304xf32, #tpu.memory_space<hbm>> -> memref<4096xf32, #tpu.memory_space<hbm>>
      tpu.enqueue_dma source(%dma_start3A_140 : memref<4096xf32, #tpu.memory_space<hbm>>) target(%arg10 : memref<4096xf32, #tpu.memory_space<vmem>>) target_semaphore(%run_scoped3A : memref<!tpu.dma_semaphore, #tpu.memory_space<semaphore_mem>>)
      %dma_wait3A = tpu.memref_slice %arg3[%mul3A_54] : memref<98304xf32, #tpu.memory_space<hbm>> -> memref<4096xf32, #tpu.memory_space<hbm>>
      %dma_wait3A_141 = tpu.memref_slice %arg3[%mul3A_54] : memref<98304xf32, #tpu.memory_space<hbm>> -> memref<4096xf32, #tpu.memory_space<hbm>>
      tpu.wait_dma2 semaphore(%run_scoped3A : memref<!tpu.dma_semaphore, #tpu.memory_space<semaphore_mem>>) src(%dma_wait3A_141 : memref<4096xf32, #tpu.memory_space<hbm>>) dst(%arg10 : memref<4096xf32, #tpu.memory_space<vmem>>)
      tpu.yield
    }) : () -> ()
    %mul3A_55 = arith.constant 3 : i32
    %mul3A_56 = arith.muli %select_n3A, %mul3A_55 : i32
    %add3A_57 = arith.constant 1 : i32
    %add3A_58 = arith.addi %mul3A_56, %add3A_57 : i32
    %mul3A_59 = arith.constant 4096 : i32
    %mul3A_60 = arith.muli %add3A_58, %mul3A_59 : i32
    "tpu.region"() ({
      %run_scoped3A = tpu.sem_alloc : memref<!tpu.dma_semaphore, #tpu.memory_space<semaphore_mem>>
      %dma_start3A = tpu.memref_slice %arg3[%mul3A_60] : memref<98304xf32, #tpu.memory_space<hbm>> -> memref<4096xf32, #tpu.memory_space<hbm>>
      %dma_start3A_140 = tpu.memref_slice %arg3[%mul3A_60] : memref<98304xf32, #tpu.memory_space<hbm>> -> memref<4096xf32, #tpu.memory_space<hbm>>
      tpu.enqueue_dma source(%dma_start3A_140 : memref<4096xf32, #tpu.memory_space<hbm>>) target(%arg11 : memref<4096xf32, #tpu.memory_space<vmem>>) target_semaphore(%run_scoped3A : memref<!tpu.dma_semaphore, #tpu.memory_space<semaphore_mem>>)
      %dma_wait3A = tpu.memref_slice %arg3[%mul3A_60] : memref<98304xf32, #tpu.memory_space<hbm>> -> memref<4096xf32, #tpu.memory_space<hbm>>
      %dma_wait3A_141 = tpu.memref_slice %arg3[%mul3A_60] : memref<98304xf32, #tpu.memory_space<hbm>> -> memref<4096xf32, #tpu.memory_space<hbm>>
      tpu.wait_dma2 semaphore(%run_scoped3A : memref<!tpu.dma_semaphore, #tpu.memory_space<semaphore_mem>>) src(%dma_wait3A_141 : memref<4096xf32, #tpu.memory_space<hbm>>) dst(%arg11 : memref<4096xf32, #tpu.memory_space<vmem>>)
      tpu.yield
    }) : () -> ()
    %mul3A_61 = arith.constant 3 : i32
    %mul3A_62 = arith.muli %select_n3A, %mul3A_61 : i32
    %add3A_63 = arith.constant 2 : i32
    %add3A_64 = arith.addi %mul3A_62, %add3A_63 : i32
    %mul3A_65 = arith.constant 4096 : i32
    %mul3A_66 = arith.muli %add3A_64, %mul3A_65 : i32
    "tpu.region"() ({
      %run_scoped3A = tpu.sem_alloc : memref<!tpu.dma_semaphore, #tpu.memory_space<semaphore_mem>>
      %dma_start3A = tpu.memref_slice %arg3[%mul3A_66] : memref<98304xf32, #tpu.memory_space<hbm>> -> memref<4096xf32, #tpu.memory_space<hbm>>
      %dma_start3A_140 = tpu.memref_slice %arg3[%mul3A_66] : memref<98304xf32, #tpu.memory_space<hbm>> -> memref<4096xf32, #tpu.memory_space<hbm>>
      tpu.enqueue_dma source(%dma_start3A_140 : memref<4096xf32, #tpu.memory_space<hbm>>) target(%arg12 : memref<4096xf32, #tpu.memory_space<vmem>>) target_semaphore(%run_scoped3A : memref<!tpu.dma_semaphore, #tpu.memory_space<semaphore_mem>>)
      %dma_wait3A = tpu.memref_slice %arg3[%mul3A_66] : memref<98304xf32, #tpu.memory_space<hbm>> -> memref<4096xf32, #tpu.memory_space<hbm>>
      %dma_wait3A_141 = tpu.memref_slice %arg3[%mul3A_66] : memref<98304xf32, #tpu.memory_space<hbm>> -> memref<4096xf32, #tpu.memory_space<hbm>>
      tpu.wait_dma2 semaphore(%run_scoped3A : memref<!tpu.dma_semaphore, #tpu.memory_space<semaphore_mem>>) src(%dma_wait3A_141 : memref<4096xf32, #tpu.memory_space<hbm>>) dst(%arg12 : memref<4096xf32, #tpu.memory_space<vmem>>)
      tpu.yield
    }) : () -> ()
    %mul3A_67 = arith.constant 4096 : i32
    %mul3A_68 = arith.muli %select_n3A, %mul3A_67 : i32
    "tpu.region"() ({
      %run_scoped3A = tpu.sem_alloc : memref<!tpu.dma_semaphore, #tpu.memory_space<semaphore_mem>>
      %dma_start3A = tpu.memref_slice %arg5[%mul3A_68] : memref<32768xf32, #tpu.memory_space<hbm>> -> memref<4096xf32, #tpu.memory_space<hbm>>
      %dma_start3A_140 = tpu.memref_slice %arg5[%mul3A_68] : memref<32768xf32, #tpu.memory_space<hbm>> -> memref<4096xf32, #tpu.memory_space<hbm>>
      tpu.enqueue_dma source(%dma_start3A_140 : memref<4096xf32, #tpu.memory_space<hbm>>) target(%arg13 : memref<4096xf32, #tpu.memory_space<vmem>>) target_semaphore(%run_scoped3A : memref<!tpu.dma_semaphore, #tpu.memory_space<semaphore_mem>>)
      %dma_wait3A = tpu.memref_slice %arg5[%mul3A_68] : memref<32768xf32, #tpu.memory_space<hbm>> -> memref<4096xf32, #tpu.memory_space<hbm>>
      %dma_wait3A_141 = tpu.memref_slice %arg5[%mul3A_68] : memref<32768xf32, #tpu.memory_space<hbm>> -> memref<4096xf32, #tpu.memory_space<hbm>>
      tpu.wait_dma2 semaphore(%run_scoped3A : memref<!tpu.dma_semaphore, #tpu.memory_space<semaphore_mem>>) src(%dma_wait3A_141 : memref<4096xf32, #tpu.memory_space<hbm>>) dst(%arg13 : memref<4096xf32, #tpu.memory_space<vmem>>)
      tpu.yield
    }) : () -> ()
    %mul3A_69 = arith.constant 3 : i32
    %mul3A_70 = arith.muli %select_n3A, %mul3A_69 : i32
    %add3A_71 = arith.constant 0 : i32
    %add3A_72 = arith.addi %mul3A_70, %add3A_71 : i32
    %mul3A_73 = arith.constant 512 : i32
    %mul3A_74 = arith.muli %add3A_72, %mul3A_73 : i32
    %mul3A_75 = arith.constant 128 : i32
    %mul3A_76 = arith.muli %select_n3A_30, %mul3A_75 : i32
    %add3A_77 = arith.addi %mul3A_74, %mul3A_76 : i32
    "tpu.region"() ({
      %run_scoped3A = tpu.sem_alloc : memref<!tpu.dma_semaphore, #tpu.memory_space<semaphore_mem>>
      %dma_start3A = arith.constant 0 : i32
      %dma_start3A_140 = tpu.memref_slice %arg14[%dma_start3A] : memref<400xf32, #tpu.memory_space<vmem>> -> memref<128xf32, #tpu.memory_space<vmem>>
      %dma_start3A_141 = tpu.memref_slice %arg4[%add3A_77] : memref<12288xf32, #tpu.memory_space<hbm>> -> memref<128xf32, #tpu.memory_space<hbm>>
      %dma_start3A_142 = arith.constant 0 : i32
      %dma_start3A_143 = tpu.memref_slice %arg14[%dma_start3A_142] : memref<400xf32, #tpu.memory_space<vmem>> -> memref<128xf32, #tpu.memory_space<vmem>>
      %dma_start3A_144 = tpu.memref_slice %arg4[%add3A_77] : memref<12288xf32, #tpu.memory_space<hbm>> -> memref<128xf32, #tpu.memory_space<hbm>>
      tpu.enqueue_dma source(%dma_start3A_144 : memref<128xf32, #tpu.memory_space<hbm>>) target(%dma_start3A_143 : memref<128xf32, #tpu.memory_space<vmem>>) target_semaphore(%run_scoped3A : memref<!tpu.dma_semaphore, #tpu.memory_space<semaphore_mem>>)
      %dma_wait3A = arith.constant 0 : i32
      %dma_wait3A_145 = tpu.memref_slice %arg14[%dma_wait3A] : memref<400xf32, #tpu.memory_space<vmem>> -> memref<128xf32, #tpu.memory_space<vmem>>
      %dma_wait3A_146 = tpu.memref_slice %arg4[%add3A_77] : memref<12288xf32, #tpu.memory_space<hbm>> -> memref<128xf32, #tpu.memory_space<hbm>>
      %dma_wait3A_147 = arith.constant 0 : i32
      %dma_wait3A_148 = tpu.memref_slice %arg14[%dma_wait3A_147] : memref<400xf32, #tpu.memory_space<vmem>> -> memref<128xf32, #tpu.memory_space<vmem>>
      %dma_wait3A_149 = tpu.memref_slice %arg4[%add3A_77] : memref<12288xf32, #tpu.memory_space<hbm>> -> memref<128xf32, #tpu.memory_space<hbm>>
      tpu.wait_dma2 semaphore(%run_scoped3A : memref<!tpu.dma_semaphore, #tpu.memory_space<semaphore_mem>>) src(%dma_wait3A_149 : memref<128xf32, #tpu.memory_space<hbm>>) dst(%dma_wait3A_148 : memref<128xf32, #tpu.memory_space<vmem>>)
      tpu.yield
    }) : () -> ()
    %mul3A_78 = arith.constant 3 : i32
    %mul3A_79 = arith.muli %select_n3A, %mul3A_78 : i32
    %add3A_80 = arith.constant 1 : i32
    %add3A_81 = arith.addi %mul3A_79, %add3A_80 : i32
    %mul3A_82 = arith.constant 512 : i32
    %mul3A_83 = arith.muli %add3A_81, %mul3A_82 : i32
    %mul3A_84 = arith.constant 128 : i32
    %mul3A_85 = arith.muli %select_n3A_30, %mul3A_84 : i32
    %add3A_86 = arith.addi %mul3A_83, %mul3A_85 : i32
    "tpu.region"() ({
      %run_scoped3A = tpu.sem_alloc : memref<!tpu.dma_semaphore, #tpu.memory_space<semaphore_mem>>
      %dma_start3A = arith.constant 128 : i32
      %dma_start3A_140 = tpu.memref_slice %arg14[%dma_start3A] : memref<400xf32, #tpu.memory_space<vmem>> -> memref<128xf32, #tpu.memory_space<vmem>>
      %dma_start3A_141 = tpu.memref_slice %arg4[%add3A_86] : memref<12288xf32, #tpu.memory_space<hbm>> -> memref<128xf32, #tpu.memory_space<hbm>>
      %dma_start3A_142 = arith.constant 128 : i32
      %dma_start3A_143 = tpu.memref_slice %arg14[%dma_start3A_142] : memref<400xf32, #tpu.memory_space<vmem>> -> memref<128xf32, #tpu.memory_space<vmem>>
      %dma_start3A_144 = tpu.memref_slice %arg4[%add3A_86] : memref<12288xf32, #tpu.memory_space<hbm>> -> memref<128xf32, #tpu.memory_space<hbm>>
      tpu.enqueue_dma source(%dma_start3A_144 : memref<128xf32, #tpu.memory_space<hbm>>) target(%dma_start3A_143 : memref<128xf32, #tpu.memory_space<vmem>>) target_semaphore(%run_scoped3A : memref<!tpu.dma_semaphore, #tpu.memory_space<semaphore_mem>>)
      %dma_wait3A = arith.constant 128 : i32
      %dma_wait3A_145 = tpu.memref_slice %arg14[%dma_wait3A] : memref<400xf32, #tpu.memory_space<vmem>> -> memref<128xf32, #tpu.memory_space<vmem>>
      %dma_wait3A_146 = tpu.memref_slice %arg4[%add3A_86] : memref<12288xf32, #tpu.memory_space<hbm>> -> memref<128xf32, #tpu.memory_space<hbm>>
      %dma_wait3A_147 = arith.constant 128 : i32
      %dma_wait3A_148 = tpu.memref_slice %arg14[%dma_wait3A_147] : memref<400xf32, #tpu.memory_space<vmem>> -> memref<128xf32, #tpu.memory_space<vmem>>
      %dma_wait3A_149 = tpu.memref_slice %arg4[%add3A_86] : memref<12288xf32, #tpu.memory_space<hbm>> -> memref<128xf32, #tpu.memory_space<hbm>>
      tpu.wait_dma2 semaphore(%run_scoped3A : memref<!tpu.dma_semaphore, #tpu.memory_space<semaphore_mem>>) src(%dma_wait3A_149 : memref<128xf32, #tpu.memory_space<hbm>>) dst(%dma_wait3A_148 : memref<128xf32, #tpu.memory_space<vmem>>)
      tpu.yield
    }) : () -> ()
    %mul3A_87 = arith.constant 3 : i32
    %mul3A_88 = arith.muli %select_n3A, %mul3A_87 : i32
    %add3A_89 = arith.constant 2 : i32
    %add3A_90 = arith.addi %mul3A_88, %add3A_89 : i32
    %mul3A_91 = arith.constant 512 : i32
    %mul3A_92 = arith.muli %add3A_90, %mul3A_91 : i32
    %mul3A_93 = arith.constant 128 : i32
    %mul3A_94 = arith.muli %select_n3A_30, %mul3A_93 : i32
    %add3A_95 = arith.addi %mul3A_92, %mul3A_94 : i32
    "tpu.region"() ({
      %run_scoped3A = tpu.sem_alloc : memref<!tpu.dma_semaphore, #tpu.memory_space<semaphore_mem>>
      %dma_start3A = arith.constant 256 : i32
      %dma_start3A_140 = tpu.memref_slice %arg14[%dma_start3A] : memref<400xf32, #tpu.memory_space<vmem>> -> memref<128xf32, #tpu.memory_space<vmem>>
      %dma_start3A_141 = tpu.memref_slice %arg4[%add3A_95] : memref<12288xf32, #tpu.memory_space<hbm>> -> memref<128xf32, #tpu.memory_space<hbm>>
      %dma_start3A_142 = arith.constant 256 : i32
      %dma_start3A_143 = tpu.memref_slice %arg14[%dma_start3A_142] : memref<400xf32, #tpu.memory_space<vmem>> -> memref<128xf32, #tpu.memory_space<vmem>>
      %dma_start3A_144 = tpu.memref_slice %arg4[%add3A_95] : memref<12288xf32, #tpu.memory_space<hbm>> -> memref<128xf32, #tpu.memory_space<hbm>>
      tpu.enqueue_dma source(%dma_start3A_144 : memref<128xf32, #tpu.memory_space<hbm>>) target(%dma_start3A_143 : memref<128xf32, #tpu.memory_space<vmem>>) target_semaphore(%run_scoped3A : memref<!tpu.dma_semaphore, #tpu.memory_space<semaphore_mem>>)
      %dma_wait3A = arith.constant 256 : i32
      %dma_wait3A_145 = tpu.memref_slice %arg14[%dma_wait3A] : memref<400xf32, #tpu.memory_space<vmem>> -> memref<128xf32, #tpu.memory_space<vmem>>
      %dma_wait3A_146 = tpu.memref_slice %arg4[%add3A_95] : memref<12288xf32, #tpu.memory_space<hbm>> -> memref<128xf32, #tpu.memory_space<hbm>>
      %dma_wait3A_147 = arith.constant 256 : i32
      %dma_wait3A_148 = tpu.memref_slice %arg14[%dma_wait3A_147] : memref<400xf32, #tpu.memory_space<vmem>> -> memref<128xf32, #tpu.memory_space<vmem>>
      %dma_wait3A_149 = tpu.memref_slice %arg4[%add3A_95] : memref<12288xf32, #tpu.memory_space<hbm>> -> memref<128xf32, #tpu.memory_space<hbm>>
      tpu.wait_dma2 semaphore(%run_scoped3A : memref<!tpu.dma_semaphore, #tpu.memory_space<semaphore_mem>>) src(%dma_wait3A_149 : memref<128xf32, #tpu.memory_space<hbm>>) dst(%dma_wait3A_148 : memref<128xf32, #tpu.memory_space<vmem>>)
      tpu.yield
    }) : () -> ()
    %scan3A = arith.constant 0 : i32
    %scan3A_96 = arith.constant 0 : i32
    %scan3A_97 = arith.constant 256 : i32
    %scan3A_98 = arith.addi %scan3A_96, %scan3A_97 : i32
    %scan3A_99 = arith.constant 1 : i32
    %scan3A_100 = scf.for %scan3A_140 = %scan3A_96 to %scan3A_98 step %scan3A_99 iter_args(%scan3A_141 = %scan3A) -> (i32)  : i32 {
      %mul3A_142 = arith.constant 16 : i32
      %mul3A_143 = arith.muli %scan3A_140, %mul3A_142 : i32
      %get3A = arith.index_cast %mul3A_143 : i32 to index
      %get3A_144 = tpu.vector_load %arg7[%get3A] {strides = array<i32>} : memref<4096xf32, #tpu.memory_space<vmem>>, vector<16xf32>,
      %bitcast_convert_type3A = tpu.bitcast %get3A_144 : vector<16xf32> -> vector<16xi32>
      %add3A_145 = arith.constant 32767 : i32
      %add3A_146 = vector.broadcast %add3A_145 : i32 to vector<16xi32>
      %add3A_147 = arith.addi %bitcast_convert_type3A, %add3A_146 : vector<16xi32>
      %shift_right_logical3A = arith.constant 16 : i32
      %shift_right_logical3A_148 = vector.broadcast %shift_right_logical3A : i32 to vector<16xi32>
      %shift_right_logical3A_149 = arith.shrui %bitcast_convert_type3A, %shift_right_logical3A_148 : vector<16xi32>
      %and3A_150 = arith.constant 1 : i32
      %and3A_151 = vector.broadcast %and3A_150 : i32 to vector<16xi32>
      %and3A_152 = arith.andi %shift_right_logical3A_149, %and3A_151 : vector<16xi32>
      %add3A_153 = arith.addi %add3A_147, %and3A_152 : vector<16xi32>
      %and3A_154 = arith.constant -65536 : i32
      %and3A_155 = vector.broadcast %and3A_154 : i32 to vector<16xi32>
      %and3A_156 = arith.andi %add3A_153, %and3A_155 : vector<16xi32>
      %bitcast_convert_type3A_157 = tpu.bitcast %and3A_156 : vector<16xi32> -> vector<16xf32>
      %swap3A = arith.index_cast %mul3A_143 : i32 to index
      %swap3A_158 = tpu.vector_load %arg15[%swap3A] {strides = array<i32>} : memref<4096xf32, #tpu.memory_space<vmem>>, vector<16xf32>,
      tpu.vector_store %arg15[%swap3A], %bitcast_convert_type3A_157 {strides = array<i32>} : memref<4096xf32, #tpu.memory_space<vmem>>, vector<16xf32>,
      %get3A_159 = arith.index_cast %mul3A_143 : i32 to index
      %get3A_160 = tpu.vector_load %arg8[%get3A_159] {strides = array<i32>} : memref<4096xf32, #tpu.memory_space<vmem>>, vector<16xf32>,
      %bitcast_convert_type3A_161 = tpu.bitcast %get3A_160 : vector<16xf32> -> vector<16xi32>
      %add3A_162 = arith.constant 32767 : i32
      %add3A_163 = vector.broadcast %add3A_162 : i32 to vector<16xi32>
      %add3A_164 = arith.addi %bitcast_convert_type3A_161, %add3A_163 : vector<16xi32>
      %shift_right_logical3A_165 = arith.constant 16 : i32
      %shift_right_logical3A_166 = vector.broadcast %shift_right_logical3A_165 : i32 to vector<16xi32>
      %shift_right_logical3A_167 = arith.shrui %bitcast_convert_type3A_161, %shift_right_logical3A_166 : vector<16xi32>
      %and3A_168 = arith.constant 1 : i32
      %and3A_169 = vector.broadcast %and3A_168 : i32 to vector<16xi32>
      %and3A_170 = arith.andi %shift_right_logical3A_167, %and3A_169 : vector<16xi32>
      %add3A_171 = arith.addi %add3A_164, %and3A_170 : vector<16xi32>
      %and3A_172 = arith.constant -65536 : i32
      %and3A_173 = vector.broadcast %and3A_172 : i32 to vector<16xi32>
      %and3A_174 = arith.andi %add3A_171, %and3A_173 : vector<16xi32>
      %bitcast_convert_type3A_175 = tpu.bitcast %and3A_174 : vector<16xi32> -> vector<16xf32>
      %swap3A_176 = arith.index_cast %mul3A_143 : i32 to index
      %swap3A_177 = tpu.vector_load %arg16[%swap3A_176] {strides = array<i32>} : memref<4096xf32, #tpu.memory_space<vmem>>, vector<16xf32>,
      tpu.vector_store %arg16[%swap3A_176], %bitcast_convert_type3A_175 {strides = array<i32>} : memref<4096xf32, #tpu.memory_space<vmem>>, vector<16xf32>,
      %get3A_178 = arith.index_cast %mul3A_143 : i32 to index
      %get3A_179 = tpu.vector_load %arg9[%get3A_178] {strides = array<i32>} : memref<4096xf32, #tpu.memory_space<vmem>>, vector<16xf32>,
      %bitcast_convert_type3A_180 = tpu.bitcast %get3A_179 : vector<16xf32> -> vector<16xi32>
      %add3A_181 = arith.constant 32767 : i32
      %add3A_182 = vector.broadcast %add3A_181 : i32 to vector<16xi32>
      %add3A_183 = arith.addi %bitcast_convert_type3A_180, %add3A_182 : vector<16xi32>
      %shift_right_logical3A_184 = arith.constant 16 : i32
      %shift_right_logical3A_185 = vector.broadcast %shift_right_logical3A_184 : i32 to vector<16xi32>
      %shift_right_logical3A_186 = arith.shrui %bitcast_convert_type3A_180, %shift_right_logical3A_185 : vector<16xi32>
      %and3A_187 = arith.constant 1 : i32
      %and3A_188 = vector.broadcast %and3A_187 : i32 to vector<16xi32>
      %and3A_189 = arith.andi %shift_right_logical3A_186, %and3A_188 : vector<16xi32>
      %add3A_190 = arith.addi %add3A_183, %and3A_189 : vector<16xi32>
      %and3A_191 = arith.constant -65536 : i32
      %and3A_192 = vector.broadcast %and3A_191 : i32 to vector<16xi32>
      %and3A_193 = arith.andi %add3A_190, %and3A_192 : vector<16xi32>
      %bitcast_convert_type3A_194 = tpu.bitcast %and3A_193 : vector<16xi32> -> vector<16xf32>
      %swap3A_195 = arith.index_cast %mul3A_143 : i32 to index
      %swap3A_196 = tpu.vector_load %arg17[%swap3A_195] {strides = array<i32>} : memref<4096xf32, #tpu.memory_space<vmem>>, vector<16xf32>,
      tpu.vector_store %arg17[%swap3A_195], %bitcast_convert_type3A_194 {strides = array<i32>} : memref<4096xf32, #tpu.memory_space<vmem>>, vector<16xf32>,
      %scan3A_197 = arith.constant 0 : i32
      scf.yield %scan3A_197 : i32
    }
    %scan3A_101 = arith.constant 256 : i32
    %scan3A_102 = arith.constant 0 : i32
    %scan3A_103 = arith.constant 0 : i32
    %scan3A_104 = arith.constant 24 : i32
    %scan3A_105 = arith.addi %scan3A_103, %scan3A_104 : i32
    %scan3A_106 = arith.constant 1 : i32
    %scan3A_107 = scf.for %scan3A_140 = %scan3A_103 to %scan3A_105 step %scan3A_106 iter_args(%scan3A_141 = %scan3A_102) -> (i32)  : i32 {
      %mul3A_142 = arith.constant 16 : i32
      %mul3A_143 = arith.muli %scan3A_140, %mul3A_142 : i32
      %get3A = arith.index_cast %mul3A_143 : i32 to index
      %get3A_144 = tpu.vector_load %arg14[%get3A] {strides = array<i32>} : memref<400xf32, #tpu.memory_space<vmem>>, vector<16xf32>,
      %bitcast_convert_type3A = tpu.bitcast %get3A_144 : vector<16xf32> -> vector<16xi32>
      %add3A_145 = arith.constant 32767 : i32
      %add3A_146 = vector.broadcast %add3A_145 : i32 to vector<16xi32>
      %add3A_147 = arith.addi %bitcast_convert_type3A, %add3A_146 : vector<16xi32>
      %shift_right_logical3A = arith.constant 16 : i32
      %shift_right_logical3A_148 = vector.broadcast %shift_right_logical3A : i32 to vector<16xi32>
      %shift_right_logical3A_149 = arith.shrui %bitcast_convert_type3A, %shift_right_logical3A_148 : vector<16xi32>
      %and3A_150 = arith.constant 1 : i32
      %and3A_151 = vector.broadcast %and3A_150 : i32 to vector<16xi32>
      %and3A_152 = arith.andi %shift_right_logical3A_149, %and3A_151 : vector<16xi32>
      %add3A_153 = arith.addi %add3A_147, %and3A_152 : vector<16xi32>
      %and3A_154 = arith.constant -65536 : i32
      %and3A_155 = vector.broadcast %and3A_154 : i32 to vector<16xi32>
      %and3A_156 = arith.andi %add3A_153, %and3A_155 : vector<16xi32>
      %bitcast_convert_type3A_157 = tpu.bitcast %and3A_156 : vector<16xi32> -> vector<16xf32>
      %swap3A = arith.index_cast %mul3A_143 : i32 to index
      %swap3A_158 = tpu.vector_load %arg18[%swap3A] {strides = array<i32>} : memref<400xf32, #tpu.memory_space<vmem>>, vector<16xf32>,
      tpu.vector_store %arg18[%swap3A], %bitcast_convert_type3A_157 {strides = array<i32>} : memref<400xf32, #tpu.memory_space<vmem>>, vector<16xf32>,
      %scan3A_159 = arith.constant 0 : i32
      scf.yield %scan3A_159 : i32
    }
    %scan3A_108 = arith.constant 24 : i32
    %scan3A_109 = arith.constant 0 : i32
    %scan3A_110 = arith.constant 0 : i32
    %scan3A_111 = arith.constant 128 : i32
    %scan3A_112 = arith.addi %scan3A_110, %scan3A_111 : i32
    %scan3A_113 = arith.constant 1 : i32
    %scan3A_114 = scf.for %scan3A_140 = %scan3A_110 to %scan3A_112 step %scan3A_113 iter_args(%scan3A_141 = %scan3A_109) -> (i32)  : i32 {
      %iota3A = tpu.iota {dimensions = array<i32: 0>} : vector<16xi32>
      %add3A_142 = arith.constant 0 : i32
      %add3A_143 = arith.addi %add3A_142, %scan3A_140 : i32
      %get3A = arith.index_cast %add3A_143 : i32 to index
      %get3A_144 = tpu.vector_load %arg14[%get3A] {strides = array<i32>} : memref<400xf32, #tpu.memory_space<vmem>>, vector<16xf32>,
      %slice3A = vector.extract_strided_slice %get3A_144 {offsets = [0], sizes = [1], strides = [1]} : vector<16xf32> to vector<1xf32>
      %squeeze3A = vector.extract %slice3A[0] : f32 from vector<1xf32>
      %add3A_145 = arith.constant 128 : i32
      %add3A_146 = arith.addi %add3A_145, %scan3A_140 : i32
      %get3A_147 = arith.index_cast %add3A_146 : i32 to index
      %get3A_148 = tpu.vector_load %arg14[%get3A_147] {strides = array<i32>} : memref<400xf32, #tpu.memory_space<vmem>>, vector<16xf32>,
      %slice3A_149 = vector.extract_strided_slice %get3A_148 {offsets = [0], sizes = [1], strides = [1]} : vector<16xf32> to vector<1xf32>
      %squeeze3A_150 = vector.extract %slice3A_149[0] : f32 from vector<1xf32>
      %add3A_151 = arith.constant 256 : i32
      %add3A_152 = arith.addi %add3A_151, %scan3A_140 : i32
      %get3A_153 = arith.index_cast %add3A_152 : i32 to index
      %get3A_154 = tpu.vector_load %arg14[%get3A_153] {strides = array<i32>} : memref<400xf32, #tpu.memory_space<vmem>>, vector<16xf32>,
      %slice3A_155 = vector.extract_strided_slice %get3A_154 {offsets = [0], sizes = [1], strides = [1]} : vector<16xf32> to vector<1xf32>
      %squeeze3A_156 = vector.extract %slice3A_155[0] : f32 from vector<1xf32>
      %add3A_157 = arith.constant 0 : i32
      %add3A_158 = arith.addi %add3A_157, %scan3A_140 : i32
      %get3A_159 = arith.index_cast %add3A_158 : i32 to index
      %get3A_160 = tpu.vector_load %arg18[%get3A_159] {strides = array<i32>} : memref<400xf32, #tpu.memory_space<vmem>>, vector<16xf32>,
      %slice3A_161 = vector.extract_strided_slice %get3A_160 {offsets = [0], sizes = [1], strides = [1]} : vector<16xf32> to vector<1xf32>
      %squeeze3A_162 = vector.extract %slice3A_161[0] : f32 from vector<1xf32>
      %add3A_163 = arith.constant 128 : i32
      %add3A_164 = arith.addi %add3A_163, %scan3A_140 : i32
      %get3A_165 = arith.index_cast %add3A_164 : i32 to index
      %get3A_166 = tpu.vector_load %arg18[%get3A_165] {strides = array<i32>} : memref<400xf32, #tpu.memory_space<vmem>>, vector<16xf32>,
      %slice3A_167 = vector.extract_strided_slice %get3A_166 {offsets = [0], sizes = [1], strides = [1]} : vector<16xf32> to vector<1xf32>
      %squeeze3A_168 = vector.extract %slice3A_167[0] : f32 from vector<1xf32>
      %add3A_169 = arith.constant 256 : i32
      %add3A_170 = arith.addi %add3A_169, %scan3A_140 : i32
      %get3A_171 = arith.index_cast %add3A_170 : i32 to index
      %get3A_172 = tpu.vector_load %arg18[%get3A_171] {strides = array<i32>} : memref<400xf32, #tpu.memory_space<vmem>>, vector<16xf32>,
      %slice3A_173 = vector.extract_strided_slice %get3A_172 {offsets = [0], sizes = [1], strides = [1]} : vector<16xf32> to vector<1xf32>
      %squeeze3A_174 = vector.extract %slice3A_173[0] : f32 from vector<1xf32>
      %mul3A_175 = arith.mulf %squeeze3A, %squeeze3A : f32
      %mul3A_176 = arith.mulf %squeeze3A_150, %squeeze3A_150 : f32
      %add3A_177 = arith.addf %mul3A_175, %mul3A_176 : f32
      %mul3A_178 = arith.mulf %squeeze3A_156, %squeeze3A_156 : f32
      %add3A_179 = arith.addf %add3A_177, %mul3A_178 : f32
      %scan3A_180 = arith.constant 0 : i32
      %scan3A_181 = arith.constant 0 : i32
      %scan3A_182 = arith.constant 16 : i32
      %scan3A_183 = arith.addi %scan3A_181, %scan3A_182 : i32
      %scan3A_184 = arith.constant 1 : i32
      %scan3A_185 = scf.for %scan3A_287 = %scan3A_181 to %scan3A_183 step %scan3A_184 iter_args(%scan3A_288 = %scan3A_180) -> (i32)  : i32 {
        %lt3A_289 = arith.constant 32 : i32
        %lt3A_290 = arith.cmpi slt, %scan3A_288, %lt3A_289 : i32
        %convert_element_type3A = arith.extui %lt3A_290 : i1 to i32
        %cond3A = arith.constant 0 : i32
        %cond3A_291 = arith.cmpi ne, %convert_element_type3A, %cond3A : i32
        %cond3A_292 = scf.if %cond3A_291 -> (i32) {
          %mul3A_293 = arith.constant 8 : i32
          %mul3A_294 = arith.muli %scan3A_287, %mul3A_293 : i32
          %mul3A_295 = arith.constant 8 : i32
          %mul3A_296 = arith.muli %scan3A_287, %mul3A_295 : i32
          %add3A_297 = arith.constant 8 : i32
          %add3A_298 = arith.addi %mul3A_296, %add3A_297 : i32
          %while3A = arith.subi %add3A_298, %mul3A_294 : i32
          %while3A_299 = arith.addi %mul3A_294, %while3A : i32
          %while3A_300 = arith.constant 1 : i32
          %while3A_301 = arith.divsi %while3A, %while3A_300 : i32
          %while3A_302 = arith.muli %while3A_301, %while3A_300 : i32
          %while3A_303 = arith.addi %mul3A_294, %while3A_302 : i32
          %while3A_304 = arith.constant 1 : i32
          %while3A_305 = scf.for %while3A_308 = %mul3A_294 to %while3A_303 step %while3A_304 iter_args(%while3A_309 = %scan3A_288) -> (i32)  : i32 {
            %mul3A_310 = arith.constant 32 : i32
            %mul3A_311 = arith.muli %while3A_308, %mul3A_310 : i32
            %add3A_312 = arith.constant 0 : i32
            %add3A_313 = arith.addi %mul3A_311, %add3A_312 : i32
            %get3A_314 = arith.index_cast %add3A_313 : i32 to index
            %get3A_315 = tpu.vector_load %arg15[%get3A_314] {strides = array<i32>} : memref<4096xf32, #tpu.memory_space<vmem>>, vector<16xf32>,
            %get3A_316 = arith.index_cast %add3A_313 : i32 to index
            %get3A_317 = tpu.vector_load %arg16[%get3A_316] {strides = array<i32>} : memref<4096xf32, #tpu.memory_space<vmem>>, vector<16xf32>,
            %get3A_318 = arith.index_cast %add3A_313 : i32 to index
            %get3A_319 = tpu.vector_load %arg17[%get3A_318] {strides = array<i32>} : memref<4096xf32, #tpu.memory_space<vmem>>, vector<16xf32>,
            %get3A_320 = arith.index_cast %add3A_313 : i32 to index
            %get3A_321 = tpu.vector_load %arg13[%get3A_320] {strides = array<i32>} : memref<4096xf32, #tpu.memory_space<vmem>>, vector<16xf32>,
            %mul3A_322 = vector.broadcast %squeeze3A_162 : f32 to vector<16xf32>
            %mul3A_323 = arith.mulf %mul3A_322, %get3A_315 : vector<16xf32>
            %mul3A_324 = vector.broadcast %squeeze3A_168 : f32 to vector<16xf32>
            %mul3A_325 = arith.mulf %mul3A_324, %get3A_317 : vector<16xf32>
            %add3A_326 = arith.addf %mul3A_323, %mul3A_325 : vector<16xf32>
            %mul3A_327 = vector.broadcast %squeeze3A_174 : f32 to vector<16xf32>
            %mul3A_328 = arith.mulf %mul3A_327, %get3A_319 : vector<16xf32>
            %add3A_329 = arith.addf %add3A_326, %mul3A_328 : vector<16xf32>
            %mul3A_330 = arith.constant -2.000000e+00 : f32
            %mul3A_331 = vector.broadcast %mul3A_330 : f32 to vector<16xf32>
            %mul3A_332 = arith.mulf %mul3A_331, %add3A_329 : vector<16xf32>
            %add3A_333 = vector.broadcast %add3A_179 : f32 to vector<16xf32>
            %add3A_334 = arith.addf %mul3A_332, %add3A_333 : vector<16xf32>
            %add3A_335 = arith.addf %add3A_334, %get3A_321 : vector<16xf32>
            %le3A = arith.constant 1.000000e+00 : f32
            %le3A_336 = vector.broadcast %le3A : f32 to vector<16xf32>
            %le3A_337 = arith.cmpf ole, %add3A_335, %le3A_336 : vector<16xf32>
            %add3A_338 = vector.broadcast %add3A_313 : i32 to vector<16xi32>
            %add3A_339 = arith.addi %iota3A, %add3A_338 : vector<16xi32>
            %jit3A_340 = arith.constant 1048576 : i32
            %broadcast_in_dim3A_341 = vector.broadcast %jit3A_340 : i32 to vector<16xi32>
            %select_n3A_342 = arith.select %le3A_337, %add3A_339, %broadcast_in_dim3A_341 : vector<16xi1>, vector<16xi32>
            %masked_sort3A = arith.constant dense<true> : vector<16xi1>
            %masked_sort3A_343 = arith.constant -2147483648 : i32
            %masked_sort3A_344 = vector.broadcast %masked_sort3A_343 : i32 to vector<16xi32>
            %masked_sort3A_345 = arith.xori %select_n3A_342, %masked_sort3A_344 : vector<16xi32>
            %masked_sort3A_346, %masked_sort3A_347, %masked_sort3A_348 = tpu.sort %masked_sort3A_345, %select_n3A_342 masked %masked_sort3A : (vector<16xi32>, vector<16xi32>, vector<16xi1>) -> (vector<16xi1>, vector<16xi32>, vector<16xi32>)
            %masked_sort3A_349 = arith.xori %masked_sort3A_347, %masked_sort3A_344 : vector<16xi32>
            %all_reduce_population_count3A = tpu.all_reduce %le3A_337 {dim = 0 : i64, kind = #tpu.reduction_kind<sum>} : vector<16xi1> -> vector<16xi32>
            %slice3A_350 = vector.extract_strided_slice %all_reduce_population_count3A {offsets = [0], sizes = [1], strides = [1]} : vector<16xi32> to vector<1xi32>
            %squeeze3A_351 = vector.extract %slice3A_350[0] : i32 from vector<1xi32>
            %mul3A_352 = arith.constant 32 : i32
            %mul3A_353 = arith.muli %while3A_308, %mul3A_352 : i32
            %add3A_354 = arith.constant 16 : i32
            %add3A_355 = arith.addi %mul3A_353, %add3A_354 : i32
            %get3A_356 = arith.index_cast %add3A_355 : i32 to index
            %get3A_357 = tpu.vector_load %arg15[%get3A_356] {strides = array<i32>} : memref<4096xf32, #tpu.memory_space<vmem>>, vector<16xf32>,
            %get3A_358 = arith.index_cast %add3A_355 : i32 to index
            %get3A_359 = tpu.vector_load %arg16[%get3A_358] {strides = array<i32>} : memref<4096xf32, #tpu.memory_space<vmem>>, vector<16xf32>,
            %get3A_360 = arith.index_cast %add3A_355 : i32 to index
            %get3A_361 = tpu.vector_load %arg17[%get3A_360] {strides = array<i32>} : memref<4096xf32, #tpu.memory_space<vmem>>, vector<16xf32>,
            %get3A_362 = arith.index_cast %add3A_355 : i32 to index
            %get3A_363 = tpu.vector_load %arg13[%get3A_362] {strides = array<i32>} : memref<4096xf32, #tpu.memory_space<vmem>>, vector<16xf32>,
            %mul3A_364 = vector.broadcast %squeeze3A_162 : f32 to vector<16xf32>
            %mul3A_365 = arith.mulf %mul3A_364, %get3A_357 : vector<16xf32>
            %mul3A_366 = vector.broadcast %squeeze3A_168 : f32 to vector<16xf32>
            %mul3A_367 = arith.mulf %mul3A_366, %get3A_359 : vector<16xf32>
            %add3A_368 = arith.addf %mul3A_365, %mul3A_367 : vector<16xf32>
            %mul3A_369 = vector.broadcast %squeeze3A_174 : f32 to vector<16xf32>
            %mul3A_370 = arith.mulf %mul3A_369, %get3A_361 : vector<16xf32>
            %add3A_371 = arith.addf %add3A_368, %mul3A_370 : vector<16xf32>
            %mul3A_372 = arith.constant -2.000000e+00 : f32
            %mul3A_373 = vector.broadcast %mul3A_372 : f32 to vector<16xf32>
            %mul3A_374 = arith.mulf %mul3A_373, %add3A_371 : vector<16xf32>
            %add3A_375 = vector.broadcast %add3A_179 : f32 to vector<16xf32>
            %add3A_376 = arith.addf %mul3A_374, %add3A_375 : vector<16xf32>
            %add3A_377 = arith.addf %add3A_376, %get3A_363 : vector<16xf32>
            %le3A_378 = arith.constant 1.000000e+00 : f32
            %le3A_379 = vector.broadcast %le3A_378 : f32 to vector<16xf32>
            %le3A_380 = arith.cmpf ole, %add3A_377, %le3A_379 : vector<16xf32>
            %add3A_381 = vector.broadcast %add3A_355 : i32 to vector<16xi32>
            %add3A_382 = arith.addi %iota3A, %add3A_381 : vector<16xi32>
            %jit3A_383 = arith.constant 1048576 : i32
            %broadcast_in_dim3A_384 = vector.broadcast %jit3A_383 : i32 to vector<16xi32>
            %select_n3A_385 = arith.select %le3A_380, %add3A_382, %broadcast_in_dim3A_384 : vector<16xi1>, vector<16xi32>
            %masked_sort3A_386 = arith.constant dense<true> : vector<16xi1>
            %masked_sort3A_387 = arith.constant -2147483648 : i32
            %masked_sort3A_388 = vector.broadcast %masked_sort3A_387 : i32 to vector<16xi32>
            %masked_sort3A_389 = arith.xori %select_n3A_385, %masked_sort3A_388 : vector<16xi32>
            %masked_sort3A_390, %masked_sort3A_391, %masked_sort3A_392 = tpu.sort %masked_sort3A_389, %select_n3A_385 masked %masked_sort3A_386 : (vector<16xi32>, vector<16xi32>, vector<16xi1>) -> (vector<16xi1>, vector<16xi32>, vector<16xi32>)
            %masked_sort3A_393 = arith.xori %masked_sort3A_391, %masked_sort3A_388 : vector<16xi32>
            %all_reduce_population_count3A_394 = tpu.all_reduce %le3A_380 {dim = 0 : i64, kind = #tpu.reduction_kind<sum>} : vector<16xi1> -> vector<16xi32>
            %slice3A_395 = vector.extract_strided_slice %all_reduce_population_count3A_394 {offsets = [0], sizes = [1], strides = [1]} : vector<16xi32> to vector<1xi32>
            %squeeze3A_396 = vector.extract %slice3A_395[0] : i32 from vector<1xi32>
            %lt3A_397 = arith.constant 32 : i32
            %lt3A_398 = arith.cmpi slt, %while3A_309, %lt3A_397 : i32
            %jit3A_399 = arith.constant 1048576 : i32
            %broadcast_in_dim3A_400 = vector.broadcast %jit3A_399 : i32 to vector<16xi32>
            %select_n3A_401 = arith.select %lt3A_398, %masked_sort3A_348, %broadcast_in_dim3A_400 : vector<16xi32>
            %min3A = arith.constant 32 : i32
            %min3A_402 = arith.minsi %while3A_309, %min3A : i32
            %swap3A_403 = arith.index_cast %min3A_402 : i32 to index
            %swap3A_404 = tpu.vector_load %arg19[%swap3A_403] {strides = array<i32>} : memref<48xi32, #tpu.memory_space<vmem>>, vector<16xi32>,
            tpu.vector_store %arg19[%swap3A_403], %select_n3A_401 {strides = array<i32>} : memref<48xi32, #tpu.memory_space<vmem>>, vector<16xi32>,
            %jit3A_405 = arith.constant 0 : i32
            %select_n3A_406 = arith.select %lt3A_398, %squeeze3A_351, %jit3A_405 : i32
            %add3A_407 = arith.addi %while3A_309, %select_n3A_406 : i32
            %lt3A_408 = arith.constant 32 : i32
            %lt3A_409 = arith.cmpi slt, %add3A_407, %lt3A_408 : i32
            %jit3A_410 = arith.constant 1048576 : i32
            %broadcast_in_dim3A_411 = vector.broadcast %jit3A_410 : i32 to vector<16xi32>
            %select_n3A_412 = arith.select %lt3A_409, %masked_sort3A_392, %broadcast_in_dim3A_411 : vector<16xi32>
            %min3A_413 = arith.constant 32 : i32
            %min3A_414 = arith.minsi %add3A_407, %min3A_413 : i32
            %swap3A_415 = arith.index_cast %min3A_414 : i32 to index
            %swap3A_416 = tpu.vector_load %arg19[%swap3A_415] {strides = array<i32>} : memref<48xi32, #tpu.memory_space<vmem>>, vector<16xi32>,
            tpu.vector_store %arg19[%swap3A_415], %select_n3A_412 {strides = array<i32>} : memref<48xi32, #tpu.memory_space<vmem>>, vector<16xi32>,
            %jit3A_417 = arith.constant 0 : i32
            %select_n3A_418 = arith.select %lt3A_409, %squeeze3A_396, %jit3A_417 : i32
            %add3A_419 = arith.addi %add3A_407, %select_n3A_418 : i32
            scf.yield %add3A_419 : i32
          }
          %while3A_306 = arith.constant 1 : i32
          %while3A_307 = scf.for %while3A_308 = %while3A_303 to %while3A_299 step %while3A_306 iter_args(%while3A_309 = %while3A_305) -> (i32)  : i32 {
            %mul3A_310 = arith.constant 32 : i32
            %mul3A_311 = arith.muli %while3A_308, %mul3A_310 : i32
            %add3A_312 = arith.constant 0 : i32
            %add3A_313 = arith.addi %mul3A_311, %add3A_312 : i32
            %get3A_314 = arith.index_cast %add3A_313 : i32 to index
            %get3A_315 = tpu.vector_load %arg15[%get3A_314] {strides = array<i32>} : memref<4096xf32, #tpu.memory_space<vmem>>, vector<16xf32>,
            %get3A_316 = arith.index_cast %add3A_313 : i32 to index
            %get3A_317 = tpu.vector_load %arg16[%get3A_316] {strides = array<i32>} : memref<4096xf32, #tpu.memory_space<vmem>>, vector<16xf32>,
            %get3A_318 = arith.index_cast %add3A_313 : i32 to index
            %get3A_319 = tpu.vector_load %arg17[%get3A_318] {strides = array<i32>} : memref<4096xf32, #tpu.memory_space<vmem>>, vector<16xf32>,
            %get3A_320 = arith.index_cast %add3A_313 : i32 to index
            %get3A_321 = tpu.vector_load %arg13[%get3A_320] {strides = array<i32>} : memref<4096xf32, #tpu.memory_space<vmem>>, vector<16xf32>,
            %mul3A_322 = vector.broadcast %squeeze3A_162 : f32 to vector<16xf32>
            %mul3A_323 = arith.mulf %mul3A_322, %get3A_315 : vector<16xf32>
            %mul3A_324 = vector.broadcast %squeeze3A_168 : f32 to vector<16xf32>
            %mul3A_325 = arith.mulf %mul3A_324, %get3A_317 : vector<16xf32>
            %add3A_326 = arith.addf %mul3A_323, %mul3A_325 : vector<16xf32>
            %mul3A_327 = vector.broadcast %squeeze3A_174 : f32 to vector<16xf32>
            %mul3A_328 = arith.mulf %mul3A_327, %get3A_319 : vector<16xf32>
            %add3A_329 = arith.addf %add3A_326, %mul3A_328 : vector<16xf32>
            %mul3A_330 = arith.constant -2.000000e+00 : f32
            %mul3A_331 = vector.broadcast %mul3A_330 : f32 to vector<16xf32>
            %mul3A_332 = arith.mulf %mul3A_331, %add3A_329 : vector<16xf32>
            %add3A_333 = vector.broadcast %add3A_179 : f32 to vector<16xf32>
            %add3A_334 = arith.addf %mul3A_332, %add3A_333 : vector<16xf32>
            %add3A_335 = arith.addf %add3A_334, %get3A_321 : vector<16xf32>
            %le3A = arith.constant 1.000000e+00 : f32
            %le3A_336 = vector.broadcast %le3A : f32 to vector<16xf32>
            %le3A_337 = arith.cmpf ole, %add3A_335, %le3A_336 : vector<16xf32>
            %add3A_338 = vector.broadcast %add3A_313 : i32 to vector<16xi32>
            %add3A_339 = arith.addi %iota3A, %add3A_338 : vector<16xi32>
            %jit3A_340 = arith.constant 1048576 : i32
            %broadcast_in_dim3A_341 = vector.broadcast %jit3A_340 : i32 to vector<16xi32>
            %select_n3A_342 = arith.select %le3A_337, %add3A_339, %broadcast_in_dim3A_341 : vector<16xi1>, vector<16xi32>
            %masked_sort3A = arith.constant dense<true> : vector<16xi1>
            %masked_sort3A_343 = arith.constant -2147483648 : i32
            %masked_sort3A_344 = vector.broadcast %masked_sort3A_343 : i32 to vector<16xi32>
            %masked_sort3A_345 = arith.xori %select_n3A_342, %masked_sort3A_344 : vector<16xi32>
            %masked_sort3A_346, %masked_sort3A_347, %masked_sort3A_348 = tpu.sort %masked_sort3A_345, %select_n3A_342 masked %masked_sort3A : (vector<16xi32>, vector<16xi32>, vector<16xi1>) -> (vector<16xi1>, vector<16xi32>, vector<16xi32>)
            %masked_sort3A_349 = arith.xori %masked_sort3A_347, %masked_sort3A_344 : vector<16xi32>
            %all_reduce_population_count3A = tpu.all_reduce %le3A_337 {dim = 0 : i64, kind = #tpu.reduction_kind<sum>} : vector<16xi1> -> vector<16xi32>
            %slice3A_350 = vector.extract_strided_slice %all_reduce_population_count3A {offsets = [0], sizes = [1], strides = [1]} : vector<16xi32> to vector<1xi32>
            %squeeze3A_351 = vector.extract %slice3A_350[0] : i32 from vector<1xi32>
            %mul3A_352 = arith.constant 32 : i32
            %mul3A_353 = arith.muli %while3A_308, %mul3A_352 : i32
            %add3A_354 = arith.constant 16 : i32
            %add3A_355 = arith.addi %mul3A_353, %add3A_354 : i32
            %get3A_356 = arith.index_cast %add3A_355 : i32 to index
            %get3A_357 = tpu.vector_load %arg15[%get3A_356] {strides = array<i32>} : memref<4096xf32, #tpu.memory_space<vmem>>, vector<16xf32>,
            %get3A_358 = arith.index_cast %add3A_355 : i32 to index
            %get3A_359 = tpu.vector_load %arg16[%get3A_358] {strides = array<i32>} : memref<4096xf32, #tpu.memory_space<vmem>>, vector<16xf32>,
            %get3A_360 = arith.index_cast %add3A_355 : i32 to index
            %get3A_361 = tpu.vector_load %arg17[%get3A_360] {strides = array<i32>} : memref<4096xf32, #tpu.memory_space<vmem>>, vector<16xf32>,
            %get3A_362 = arith.index_cast %add3A_355 : i32 to index
            %get3A_363 = tpu.vector_load %arg13[%get3A_362] {strides = array<i32>} : memref<4096xf32, #tpu.memory_space<vmem>>, vector<16xf32>,
            %mul3A_364 = vector.broadcast %squeeze3A_162 : f32 to vector<16xf32>
            %mul3A_365 = arith.mulf %mul3A_364, %get3A_357 : vector<16xf32>
            %mul3A_366 = vector.broadcast %squeeze3A_168 : f32 to vector<16xf32>
            %mul3A_367 = arith.mulf %mul3A_366, %get3A_359 : vector<16xf32>
            %add3A_368 = arith.addf %mul3A_365, %mul3A_367 : vector<16xf32>
            %mul3A_369 = vector.broadcast %squeeze3A_174 : f32 to vector<16xf32>
            %mul3A_370 = arith.mulf %mul3A_369, %get3A_361 : vector<16xf32>
            %add3A_371 = arith.addf %add3A_368, %mul3A_370 : vector<16xf32>
            %mul3A_372 = arith.constant -2.000000e+00 : f32
            %mul3A_373 = vector.broadcast %mul3A_372 : f32 to vector<16xf32>
            %mul3A_374 = arith.mulf %mul3A_373, %add3A_371 : vector<16xf32>
            %add3A_375 = vector.broadcast %add3A_179 : f32 to vector<16xf32>
            %add3A_376 = arith.addf %mul3A_374, %add3A_375 : vector<16xf32>
            %add3A_377 = arith.addf %add3A_376, %get3A_363 : vector<16xf32>
            %le3A_378 = arith.constant 1.000000e+00 : f32
            %le3A_379 = vector.broadcast %le3A_378 : f32 to vector<16xf32>
            %le3A_380 = arith.cmpf ole, %add3A_377, %le3A_379 : vector<16xf32>
            %add3A_381 = vector.broadcast %add3A_355 : i32 to vector<16xi32>
            %add3A_382 = arith.addi %iota3A, %add3A_381 : vector<16xi32>
            %jit3A_383 = arith.constant 1048576 : i32
            %broadcast_in_dim3A_384 = vector.broadcast %jit3A_383 : i32 to vector<16xi32>
            %select_n3A_385 = arith.select %le3A_380, %add3A_382, %broadcast_in_dim3A_384 : vector<16xi1>, vector<16xi32>
            %masked_sort3A_386 = arith.constant dense<true> : vector<16xi1>
            %masked_sort3A_387 = arith.constant -2147483648 : i32
            %masked_sort3A_388 = vector.broadcast %masked_sort3A_387 : i32 to vector<16xi32>
            %masked_sort3A_389 = arith.xori %select_n3A_385, %masked_sort3A_388 : vector<16xi32>
            %masked_sort3A_390, %masked_sort3A_391, %masked_sort3A_392 = tpu.sort %masked_sort3A_389, %select_n3A_385 masked %masked_sort3A_386 : (vector<16xi32>, vector<16xi32>, vector<16xi1>) -> (vector<16xi1>, vector<16xi32>, vector<16xi32>)
            %masked_sort3A_393 = arith.xori %masked_sort3A_391, %masked_sort3A_388 : vector<16xi32>
            %all_reduce_population_count3A_394 = tpu.all_reduce %le3A_380 {dim = 0 : i64, kind = #tpu.reduction_kind<sum>} : vector<16xi1> -> vector<16xi32>
            %slice3A_395 = vector.extract_strided_slice %all_reduce_population_count3A_394 {offsets = [0], sizes = [1], strides = [1]} : vector<16xi32> to vector<1xi32>
            %squeeze3A_396 = vector.extract %slice3A_395[0] : i32 from vector<1xi32>
            %lt3A_397 = arith.constant 32 : i32
            %lt3A_398 = arith.cmpi slt, %while3A_309, %lt3A_397 : i32
            %jit3A_399 = arith.constant 1048576 : i32
            %broadcast_in_dim3A_400 = vector.broadcast %jit3A_399 : i32 to vector<16xi32>
            %select_n3A_401 = arith.select %lt3A_398, %masked_sort3A_348, %broadcast_in_dim3A_400 : vector<16xi32>
            %min3A = arith.constant 32 : i32
            %min3A_402 = arith.minsi %while3A_309, %min3A : i32
            %swap3A_403 = arith.index_cast %min3A_402 : i32 to index
            %swap3A_404 = tpu.vector_load %arg19[%swap3A_403] {strides = array<i32>} : memref<48xi32, #tpu.memory_space<vmem>>, vector<16xi32>,
            tpu.vector_store %arg19[%swap3A_403], %select_n3A_401 {strides = array<i32>} : memref<48xi32, #tpu.memory_space<vmem>>, vector<16xi32>,
            %jit3A_405 = arith.constant 0 : i32
            %select_n3A_406 = arith.select %lt3A_398, %squeeze3A_351, %jit3A_405 : i32
            %add3A_407 = arith.addi %while3A_309, %select_n3A_406 : i32
            %lt3A_408 = arith.constant 32 : i32
            %lt3A_409 = arith.cmpi slt, %add3A_407, %lt3A_408 : i32
            %jit3A_410 = arith.constant 1048576 : i32
            %broadcast_in_dim3A_411 = vector.broadcast %jit3A_410 : i32 to vector<16xi32>
            %select_n3A_412 = arith.select %lt3A_409, %masked_sort3A_392, %broadcast_in_dim3A_411 : vector<16xi32>
            %min3A_413 = arith.constant 32 : i32
            %min3A_414 = arith.minsi %add3A_407, %min3A_413 : i32
            %swap3A_415 = arith.index_cast %min3A_414 : i32 to index
            %swap3A_416 = tpu.vector_load %arg19[%swap3A_415] {strides = array<i32>} : memref<48xi32, #tpu.memory_space<vmem>>, vector<16xi32>,
            tpu.vector_store %arg19[%swap3A_415], %select_n3A_412 {strides = array<i32>} : memref<48xi32, #tpu.memory_space<vmem>>, vector<16xi32>,
            %jit3A_417 = arith.constant 0 : i32
            %select_n3A_418 = arith.select %lt3A_409, %squeeze3A_396, %jit3A_417 : i32
            %add3A_419 = arith.addi %add3A_407, %select_n3A_418 : i32
            scf.yield %add3A_419 : i32
          }
          scf.yield %while3A_307 : i32
        } else {
          scf.yield %scan3A_288 : i32
        }
        scf.yield %cond3A_292 : i32
      }
      %scan3A_186 = arith.constant 16 : i32
      %get3A_187 = arith.constant 0 : index
      %get3A_188 = tpu.vector_load %arg19[%get3A_187] {strides = array<i32>} : memref<48xi32, #tpu.memory_space<vmem>>, vector<16xi32>,
      %slice3A_189 = vector.extract_strided_slice %get3A_188 {offsets = [0], sizes = [1], strides = [1]} : vector<16xi32> to vector<1xi32>
      %squeeze3A_190 = vector.extract %slice3A_189[0] : i32 from vector<1xi32>
      %get3A_191 = arith.constant 0 : index
      %get3A_192 = tpu.vector_load %arg19[%get3A_191] {strides = array<i32>} : memref<48xi32, #tpu.memory_space<vmem>>, vector<16xi32>,
      %add3A_193 = arith.constant 0 : i32
      %add3A_194 = vector.broadcast %add3A_193 : i32 to vector<16xi32>
      %add3A_195 = arith.addi %iota3A, %add3A_194 : vector<16xi32>
      %lt3A_196 = vector.broadcast %scan3A_185 : i32 to vector<16xi32>
      %lt3A_197 = arith.cmpi slt, %add3A_195, %lt3A_196 : vector<16xi32>
      %broadcast_in_dim3A = vector.broadcast %squeeze3A_190 : i32 to vector<16xi32>
      %select_n3A_198 = arith.select %lt3A_197, %get3A_192, %broadcast_in_dim3A : vector<16xi1>, vector<16xi32>
      %gather3A = tpu.vector_load_idx %arg7[%select_n3A_198] : memref<4096xf32, #tpu.memory_space<vmem>>[vector<16xi32>], vector<16xf32>,
      %sub3A_199 = vector.broadcast %squeeze3A : f32 to vector<16xf32>
      %sub3A_200 = arith.subf %gather3A, %sub3A_199 : vector<16xf32>
      %gather3A_201 = tpu.vector_load_idx %arg8[%select_n3A_198] : memref<4096xf32, #tpu.memory_space<vmem>>[vector<16xi32>], vector<16xf32>,
      %sub3A_202 = vector.broadcast %squeeze3A_150 : f32 to vector<16xf32>
      %sub3A_203 = arith.subf %gather3A_201, %sub3A_202 : vector<16xf32>
      %gather3A_204 = tpu.vector_load_idx %arg9[%select_n3A_198] : memref<4096xf32, #tpu.memory_space<vmem>>[vector<16xi32>], vector<16xf32>,
      %sub3A_205 = vector.broadcast %squeeze3A_156 : f32 to vector<16xf32>
      %sub3A_206 = arith.subf %gather3A_204, %sub3A_205 : vector<16xf32>
      %mul3A_207 = arith.constant 32 : i32
      %mul3A_208 = arith.muli %scan3A_140, %mul3A_207 : i32
      %add3A_209 = arith.constant 0 : i32
      %add3A_210 = arith.addi %mul3A_208, %add3A_209 : i32
      %add3A_211 = arith.constant 0 : i32
      %add3A_212 = arith.addi %add3A_211, %add3A_210 : i32
      %swap3A = arith.index_cast %add3A_212 : i32 to index
      %swap3A_213 = tpu.vector_load %arg20[%swap3A] {strides = array<i32>} : memref<24576xf32, #tpu.memory_space<vmem>>, vector<16xf32>,
      tpu.vector_store %arg20[%swap3A], %sub3A_200 {strides = array<i32>} : memref<24576xf32, #tpu.memory_space<vmem>>, vector<16xf32>,
      %add3A_214 = arith.constant 4096 : i32
      %add3A_215 = arith.addi %add3A_214, %add3A_210 : i32
      %swap3A_216 = arith.index_cast %add3A_215 : i32 to index
      %swap3A_217 = tpu.vector_load %arg20[%swap3A_216] {strides = array<i32>} : memref<24576xf32, #tpu.memory_space<vmem>>, vector<16xf32>,
      tpu.vector_store %arg20[%swap3A_216], %sub3A_203 {strides = array<i32>} : memref<24576xf32, #tpu.memory_space<vmem>>, vector<16xf32>,
      %add3A_218 = arith.constant 8192 : i32
      %add3A_219 = arith.addi %add3A_218, %add3A_210 : i32
      %swap3A_220 = arith.index_cast %add3A_219 : i32 to index
      %swap3A_221 = tpu.vector_load %arg20[%swap3A_220] {strides = array<i32>} : memref<24576xf32, #tpu.memory_space<vmem>>, vector<16xf32>,
      tpu.vector_store %arg20[%swap3A_220], %sub3A_206 {strides = array<i32>} : memref<24576xf32, #tpu.memory_space<vmem>>, vector<16xf32>,
      %gather3A_222 = tpu.vector_load_idx %arg10[%select_n3A_198] : memref<4096xf32, #tpu.memory_space<vmem>>[vector<16xi32>], vector<16xf32>,
      %add3A_223 = arith.constant 12288 : i32
      %add3A_224 = arith.addi %add3A_223, %add3A_210 : i32
      %swap3A_225 = arith.index_cast %add3A_224 : i32 to index
      %swap3A_226 = tpu.vector_load %arg20[%swap3A_225] {strides = array<i32>} : memref<24576xf32, #tpu.memory_space<vmem>>, vector<16xf32>,
      tpu.vector_store %arg20[%swap3A_225], %gather3A_222 {strides = array<i32>} : memref<24576xf32, #tpu.memory_space<vmem>>, vector<16xf32>,
      %gather3A_227 = tpu.vector_load_idx %arg11[%select_n3A_198] : memref<4096xf32, #tpu.memory_space<vmem>>[vector<16xi32>], vector<16xf32>,
      %add3A_228 = arith.constant 16384 : i32
      %add3A_229 = arith.addi %add3A_228, %add3A_210 : i32
      %swap3A_230 = arith.index_cast %add3A_229 : i32 to index
      %swap3A_231 = tpu.vector_load %arg20[%swap3A_230] {strides = array<i32>} : memref<24576xf32, #tpu.memory_space<vmem>>, vector<16xf32>,
      tpu.vector_store %arg20[%swap3A_230], %gather3A_227 {strides = array<i32>} : memref<24576xf32, #tpu.memory_space<vmem>>, vector<16xf32>,
      %gather3A_232 = tpu.vector_load_idx %arg12[%select_n3A_198] : memref<4096xf32, #tpu.memory_space<vmem>>[vector<16xi32>], vector<16xf32>,
      %add3A_233 = arith.constant 20480 : i32
      %add3A_234 = arith.addi %add3A_233, %add3A_210 : i32
      %swap3A_235 = arith.index_cast %add3A_234 : i32 to index
      %swap3A_236 = tpu.vector_load %arg20[%swap3A_235] {strides = array<i32>} : memref<24576xf32, #tpu.memory_space<vmem>>, vector<16xf32>,
      tpu.vector_store %arg20[%swap3A_235], %gather3A_232 {strides = array<i32>} : memref<24576xf32, #tpu.memory_space<vmem>>, vector<16xf32>,
      %get3A_237 = arith.constant 16 : index
      %get3A_238 = tpu.vector_load %arg19[%get3A_237] {strides = array<i32>} : memref<48xi32, #tpu.memory_space<vmem>>, vector<16xi32>,
      %add3A_239 = arith.constant 16 : i32
      %add3A_240 = vector.broadcast %add3A_239 : i32 to vector<16xi32>
      %add3A_241 = arith.addi %iota3A, %add3A_240 : vector<16xi32>
      %lt3A_242 = vector.broadcast %scan3A_185 : i32 to vector<16xi32>
      %lt3A_243 = arith.cmpi slt, %add3A_241, %lt3A_242 : vector<16xi32>
      %broadcast_in_dim3A_244 = vector.broadcast %squeeze3A_190 : i32 to vector<16xi32>
      %select_n3A_245 = arith.select %lt3A_243, %get3A_238, %broadcast_in_dim3A_244 : vector<16xi1>, vector<16xi32>
      %gather3A_246 = tpu.vector_load_idx %arg7[%select_n3A_245] : memref<4096xf32, #tpu.memory_space<vmem>>[vector<16xi32>], vector<16xf32>,
      %sub3A_247 = vector.broadcast %squeeze3A : f32 to vector<16xf32>
      %sub3A_248 = arith.subf %gather3A_246, %sub3A_247 : vector<16xf32>
      %gather3A_249 = tpu.vector_load_idx %arg8[%select_n3A_245] : memref<4096xf32, #tpu.memory_space<vmem>>[vector<16xi32>], vector<16xf32>,
      %sub3A_250 = vector.broadcast %squeeze3A_150 : f32 to vector<16xf32>
      %sub3A_251 = arith.subf %gather3A_249, %sub3A_250 : vector<16xf32>
      %gather3A_252 = tpu.vector_load_idx %arg9[%select_n3A_245] : memref<4096xf32, #tpu.memory_space<vmem>>[vector<16xi32>], vector<16xf32>,
      %sub3A_253 = vector.broadcast %squeeze3A_156 : f32 to vector<16xf32>
      %sub3A_254 = arith.subf %gather3A_252, %sub3A_253 : vector<16xf32>
      %mul3A_255 = arith.constant 32 : i32
      %mul3A_256 = arith.muli %scan3A_140, %mul3A_255 : i32
      %add3A_257 = arith.constant 16 : i32
      %add3A_258 = arith.addi %mul3A_256, %add3A_257 : i32
      %add3A_259 = arith.constant 0 : i32
      %add3A_260 = arith.addi %add3A_259, %add3A_258 : i32
      %swap3A_261 = arith.index_cast %add3A_260 : i32 to index
      %swap3A_262 = tpu.vector_load %arg20[%swap3A_261] {strides = array<i32>} : memref<24576xf32, #tpu.memory_space<vmem>>, vector<16xf32>,
      tpu.vector_store %arg20[%swap3A_261], %sub3A_248 {strides = array<i32>} : memref<24576xf32, #tpu.memory_space<vmem>>, vector<16xf32>,
      %add3A_263 = arith.constant 4096 : i32
      %add3A_264 = arith.addi %add3A_263, %add3A_258 : i32
      %swap3A_265 = arith.index_cast %add3A_264 : i32 to index
      %swap3A_266 = tpu.vector_load %arg20[%swap3A_265] {strides = array<i32>} : memref<24576xf32, #tpu.memory_space<vmem>>, vector<16xf32>,
      tpu.vector_store %arg20[%swap3A_265], %sub3A_251 {strides = array<i32>} : memref<24576xf32, #tpu.memory_space<vmem>>, vector<16xf32>,
      %add3A_267 = arith.constant 8192 : i32
      %add3A_268 = arith.addi %add3A_267, %add3A_258 : i32
      %swap3A_269 = arith.index_cast %add3A_268 : i32 to index
      %swap3A_270 = tpu.vector_load %arg20[%swap3A_269] {strides = array<i32>} : memref<24576xf32, #tpu.memory_space<vmem>>, vector<16xf32>,
      tpu.vector_store %arg20[%swap3A_269], %sub3A_254 {strides = array<i32>} : memref<24576xf32, #tpu.memory_space<vmem>>, vector<16xf32>,
      %gather3A_271 = tpu.vector_load_idx %arg10[%select_n3A_245] : memref<4096xf32, #tpu.memory_space<vmem>>[vector<16xi32>], vector<16xf32>,
      %add3A_272 = arith.constant 12288 : i32
      %add3A_273 = arith.addi %add3A_272, %add3A_258 : i32
      %swap3A_274 = arith.index_cast %add3A_273 : i32 to index
      %swap3A_275 = tpu.vector_load %arg20[%swap3A_274] {strides = array<i32>} : memref<24576xf32, #tpu.memory_space<vmem>>, vector<16xf32>,
      tpu.vector_store %arg20[%swap3A_274], %gather3A_271 {strides = array<i32>} : memref<24576xf32, #tpu.memory_space<vmem>>, vector<16xf32>,
      %gather3A_276 = tpu.vector_load_idx %arg11[%select_n3A_245] : memref<4096xf32, #tpu.memory_space<vmem>>[vector<16xi32>], vector<16xf32>,
      %add3A_277 = arith.constant 16384 : i32
      %add3A_278 = arith.addi %add3A_277, %add3A_258 : i32
      %swap3A_279 = arith.index_cast %add3A_278 : i32 to index
      %swap3A_280 = tpu.vector_load %arg20[%swap3A_279] {strides = array<i32>} : memref<24576xf32, #tpu.memory_space<vmem>>, vector<16xf32>,
      tpu.vector_store %arg20[%swap3A_279], %gather3A_276 {strides = array<i32>} : memref<24576xf32, #tpu.memory_space<vmem>>, vector<16xf32>,
      %gather3A_281 = tpu.vector_load_idx %arg12[%select_n3A_245] : memref<4096xf32, #tpu.memory_space<vmem>>[vector<16xi32>], vector<16xf32>,
      %add3A_282 = arith.constant 20480 : i32
      %add3A_283 = arith.addi %add3A_282, %add3A_258 : i32
      %swap3A_284 = arith.index_cast %add3A_283 : i32 to index
      %swap3A_285 = tpu.vector_load %arg20[%swap3A_284] {strides = array<i32>} : memref<24576xf32, #tpu.memory_space<vmem>>, vector<16xf32>,
      tpu.vector_store %arg20[%swap3A_284], %gather3A_281 {strides = array<i32>} : memref<24576xf32, #tpu.memory_space<vmem>>, vector<16xf32>,
      %scan3A_286 = arith.constant 0 : i32
      scf.yield %scan3A_286 : i32
    }
    %scan3A_115 = arith.constant 128 : i32
    %mul3A_116 = arith.constant 4096 : i32
    %mul3A_117 = arith.muli %add3A, %mul3A_116 : i32
    %add3A_118 = arith.constant 0 : i32
    %add3A_119 = arith.addi %add3A_118, %mul3A_117 : i32
    "tpu.region"() ({
      %run_scoped3A = tpu.sem_alloc : memref<!tpu.dma_semaphore, #tpu.memory_space<semaphore_mem>>
      %dma_start3A = arith.constant 0 : i32
      %dma_start3A_140 = tpu.memref_slice %arg20[%dma_start3A] : memref<24576xf32, #tpu.memory_space<vmem>> -> memref<4096xf32, #tpu.memory_space<vmem>>
      %dma_start3A_141 = tpu.memref_slice %arg6[%add3A_119] : memref<786432xf32, #tpu.memory_space<hbm>> -> memref<4096xf32, #tpu.memory_space<hbm>>
      %dma_start3A_142 = tpu.memref_slice %arg6[%add3A_119] : memref<786432xf32, #tpu.memory_space<hbm>> -> memref<4096xf32, #tpu.memory_space<hbm>>
      %dma_start3A_143 = arith.constant 0 : i32
      %dma_start3A_144 = tpu.memref_slice %arg20[%dma_start3A_143] : memref<24576xf32, #tpu.memory_space<vmem>> -> memref<4096xf32, #tpu.memory_space<vmem>>
      tpu.enqueue_dma source(%dma_start3A_144 : memref<4096xf32, #tpu.memory_space<vmem>>) target(%dma_start3A_142 : memref<4096xf32, #tpu.memory_space<hbm>>) target_semaphore(%run_scoped3A : memref<!tpu.dma_semaphore, #tpu.memory_space<semaphore_mem>>)
      %dma_wait3A = arith.constant 0 : i32
      %dma_wait3A_145 = tpu.memref_slice %arg20[%dma_wait3A] : memref<24576xf32, #tpu.memory_space<vmem>> -> memref<4096xf32, #tpu.memory_space<vmem>>
      %dma_wait3A_146 = tpu.memref_slice %arg6[%add3A_119] : memref<786432xf32, #tpu.memory_space<hbm>> -> memref<4096xf32, #tpu.memory_space<hbm>>
      %dma_wait3A_147 = tpu.memref_slice %arg6[%add3A_119] : memref<786432xf32, #tpu.memory_space<hbm>> -> memref<4096xf32, #tpu.memory_space<hbm>>
      %dma_wait3A_148 = arith.constant 0 : i32
      %dma_wait3A_149 = tpu.memref_slice %arg20[%dma_wait3A_148] : memref<24576xf32, #tpu.memory_space<vmem>> -> memref<4096xf32, #tpu.memory_space<vmem>>
      tpu.wait_dma2 semaphore(%run_scoped3A : memref<!tpu.dma_semaphore, #tpu.memory_space<semaphore_mem>>) src(%dma_wait3A_149 : memref<4096xf32, #tpu.memory_space<vmem>>) dst(%dma_wait3A_147 : memref<4096xf32, #tpu.memory_space<hbm>>)
      tpu.yield
    }) : () -> ()
    %mul3A_120 = arith.constant 4096 : i32
    %mul3A_121 = arith.muli %add3A, %mul3A_120 : i32
    %add3A_122 = arith.constant 131072 : i32
    %add3A_123 = arith.addi %add3A_122, %mul3A_121 : i32
    "tpu.region"() ({
      %run_scoped3A = tpu.sem_alloc : memref<!tpu.dma_semaphore, #tpu.memory_space<semaphore_mem>>
      %dma_start3A = arith.constant 4096 : i32
      %dma_start3A_140 = tpu.memref_slice %arg20[%dma_start3A] : memref<24576xf32, #tpu.memory_space<vmem>> -> memref<4096xf32, #tpu.memory_space<vmem>>
      %dma_start3A_141 = tpu.memref_slice %arg6[%add3A_123] : memref<786432xf32, #tpu.memory_space<hbm>> -> memref<4096xf32, #tpu.memory_space<hbm>>
      %dma_start3A_142 = tpu.memref_slice %arg6[%add3A_123] : memref<786432xf32, #tpu.memory_space<hbm>> -> memref<4096xf32, #tpu.memory_space<hbm>>
      %dma_start3A_143 = arith.constant 4096 : i32
      %dma_start3A_144 = tpu.memref_slice %arg20[%dma_start3A_143] : memref<24576xf32, #tpu.memory_space<vmem>> -> memref<4096xf32, #tpu.memory_space<vmem>>
      tpu.enqueue_dma source(%dma_start3A_144 : memref<4096xf32, #tpu.memory_space<vmem>>) target(%dma_start3A_142 : memref<4096xf32, #tpu.memory_space<hbm>>) target_semaphore(%run_scoped3A : memref<!tpu.dma_semaphore, #tpu.memory_space<semaphore_mem>>)
      %dma_wait3A = arith.constant 4096 : i32
      %dma_wait3A_145 = tpu.memref_slice %arg20[%dma_wait3A] : memref<24576xf32, #tpu.memory_space<vmem>> -> memref<4096xf32, #tpu.memory_space<vmem>>
      %dma_wait3A_146 = tpu.memref_slice %arg6[%add3A_123] : memref<786432xf32, #tpu.memory_space<hbm>> -> memref<4096xf32, #tpu.memory_space<hbm>>
      %dma_wait3A_147 = tpu.memref_slice %arg6[%add3A_123] : memref<786432xf32, #tpu.memory_space<hbm>> -> memref<4096xf32, #tpu.memory_space<hbm>>
      %dma_wait3A_148 = arith.constant 4096 : i32
      %dma_wait3A_149 = tpu.memref_slice %arg20[%dma_wait3A_148] : memref<24576xf32, #tpu.memory_space<vmem>> -> memref<4096xf32, #tpu.memory_space<vmem>>
      tpu.wait_dma2 semaphore(%run_scoped3A : memref<!tpu.dma_semaphore, #tpu.memory_space<semaphore_mem>>) src(%dma_wait3A_149 : memref<4096xf32, #tpu.memory_space<vmem>>) dst(%dma_wait3A_147 : memref<4096xf32, #tpu.memory_space<hbm>>)
      tpu.yield
    }) : () -> ()
    %mul3A_124 = arith.constant 4096 : i32
    %mul3A_125 = arith.muli %add3A, %mul3A_124 : i32
    %add3A_126 = arith.constant 262144 : i32
    %add3A_127 = arith.addi %add3A_126, %mul3A_125 : i32
    "tpu.region"() ({
      %run_scoped3A = tpu.sem_alloc : memref<!tpu.dma_semaphore, #tpu.memory_space<semaphore_mem>>
      %dma_start3A = arith.constant 8192 : i32
      %dma_start3A_140 = tpu.memref_slice %arg20[%dma_start3A] : memref<24576xf32, #tpu.memory_space<vmem>> -> memref<4096xf32, #tpu.memory_space<vmem>>
      %dma_start3A_141 = tpu.memref_slice %arg6[%add3A_127] : memref<786432xf32, #tpu.memory_space<hbm>> -> memref<4096xf32, #tpu.memory_space<hbm>>
      %dma_start3A_142 = tpu.memref_slice %arg6[%add3A_127] : memref<786432xf32, #tpu.memory_space<hbm>> -> memref<4096xf32, #tpu.memory_space<hbm>>
      %dma_start3A_143 = arith.constant 8192 : i32
      %dma_start3A_144 = tpu.memref_slice %arg20[%dma_start3A_143] : memref<24576xf32, #tpu.memory_space<vmem>> -> memref<4096xf32, #tpu.memory_space<vmem>>
      tpu.enqueue_dma source(%dma_start3A_144 : memref<4096xf32, #tpu.memory_space<vmem>>) target(%dma_start3A_142 : memref<4096xf32, #tpu.memory_space<hbm>>) target_semaphore(%run_scoped3A : memref<!tpu.dma_semaphore, #tpu.memory_space<semaphore_mem>>)
      %dma_wait3A = arith.constant 8192 : i32
      %dma_wait3A_145 = tpu.memref_slice %arg20[%dma_wait3A] : memref<24576xf32, #tpu.memory_space<vmem>> -> memref<4096xf32, #tpu.memory_space<vmem>>
      %dma_wait3A_146 = tpu.memref_slice %arg6[%add3A_127] : memref<786432xf32, #tpu.memory_space<hbm>> -> memref<4096xf32, #tpu.memory_space<hbm>>
      %dma_wait3A_147 = tpu.memref_slice %arg6[%add3A_127] : memref<786432xf32, #tpu.memory_space<hbm>> -> memref<4096xf32, #tpu.memory_space<hbm>>
      %dma_wait3A_148 = arith.constant 8192 : i32
      %dma_wait3A_149 = tpu.memref_slice %arg20[%dma_wait3A_148] : memref<24576xf32, #tpu.memory_space<vmem>> -> memref<4096xf32, #tpu.memory_space<vmem>>
      tpu.wait_dma2 semaphore(%run_scoped3A : memref<!tpu.dma_semaphore, #tpu.memory_space<semaphore_mem>>) src(%dma_wait3A_149 : memref<4096xf32, #tpu.memory_space<vmem>>) dst(%dma_wait3A_147 : memref<4096xf32, #tpu.memory_space<hbm>>)
      tpu.yield
    }) : () -> ()
    %mul3A_128 = arith.constant 4096 : i32
    %mul3A_129 = arith.muli %add3A, %mul3A_128 : i32
    %add3A_130 = arith.constant 393216 : i32
    %add3A_131 = arith.addi %add3A_130, %mul3A_129 : i32
    "tpu.region"() ({
      %run_scoped3A = tpu.sem_alloc : memref<!tpu.dma_semaphore, #tpu.memory_space<semaphore_mem>>
      %dma_start3A = arith.constant 12288 : i32
      %dma_start3A_140 = tpu.memref_slice %arg20[%dma_start3A] : memref<24576xf32, #tpu.memory_space<vmem>> -> memref<4096xf32, #tpu.memory_space<vmem>>
      %dma_start3A_141 = tpu.memref_slice %arg6[%add3A_131] : memref<786432xf32, #tpu.memory_space<hbm>> -> memref<4096xf32, #tpu.memory_space<hbm>>
      %dma_start3A_142 = tpu.memref_slice %arg6[%add3A_131] : memref<786432xf32, #tpu.memory_space<hbm>> -> memref<4096xf32, #tpu.memory_space<hbm>>
      %dma_start3A_143 = arith.constant 12288 : i32
      %dma_start3A_144 = tpu.memref_slice %arg20[%dma_start3A_143] : memref<24576xf32, #tpu.memory_space<vmem>> -> memref<4096xf32, #tpu.memory_space<vmem>>
      tpu.enqueue_dma source(%dma_start3A_144 : memref<4096xf32, #tpu.memory_space<vmem>>) target(%dma_start3A_142 : memref<4096xf32, #tpu.memory_space<hbm>>) target_semaphore(%run_scoped3A : memref<!tpu.dma_semaphore, #tpu.memory_space<semaphore_mem>>)
      %dma_wait3A = arith.constant 12288 : i32
      %dma_wait3A_145 = tpu.memref_slice %arg20[%dma_wait3A] : memref<24576xf32, #tpu.memory_space<vmem>> -> memref<4096xf32, #tpu.memory_space<vmem>>
      %dma_wait3A_146 = tpu.memref_slice %arg6[%add3A_131] : memref<786432xf32, #tpu.memory_space<hbm>> -> memref<4096xf32, #tpu.memory_space<hbm>>
      %dma_wait3A_147 = tpu.memref_slice %arg6[%add3A_131] : memref<786432xf32, #tpu.memory_space<hbm>> -> memref<4096xf32, #tpu.memory_space<hbm>>
      %dma_wait3A_148 = arith.constant 12288 : i32
      %dma_wait3A_149 = tpu.memref_slice %arg20[%dma_wait3A_148] : memref<24576xf32, #tpu.memory_space<vmem>> -> memref<4096xf32, #tpu.memory_space<vmem>>
      tpu.wait_dma2 semaphore(%run_scoped3A : memref<!tpu.dma_semaphore, #tpu.memory_space<semaphore_mem>>) src(%dma_wait3A_149 : memref<4096xf32, #tpu.memory_space<vmem>>) dst(%dma_wait3A_147 : memref<4096xf32, #tpu.memory_space<hbm>>)
      tpu.yield
    }) : () -> ()
    %mul3A_132 = arith.constant 4096 : i32
    %mul3A_133 = arith.muli %add3A, %mul3A_132 : i32
    %add3A_134 = arith.constant 524288 : i32
    %add3A_135 = arith.addi %add3A_134, %mul3A_133 : i32
    "tpu.region"() ({
      %run_scoped3A = tpu.sem_alloc : memref<!tpu.dma_semaphore, #tpu.memory_space<semaphore_mem>>
      %dma_start3A = arith.constant 16384 : i32
      %dma_start3A_140 = tpu.memref_slice %arg20[%dma_start3A] : memref<24576xf32, #tpu.memory_space<vmem>> -> memref<4096xf32, #tpu.memory_space<vmem>>
      %dma_start3A_141 = tpu.memref_slice %arg6[%add3A_135] : memref<786432xf32, #tpu.memory_space<hbm>> -> memref<4096xf32, #tpu.memory_space<hbm>>
      %dma_start3A_142 = tpu.memref_slice %arg6[%add3A_135] : memref<786432xf32, #tpu.memory_space<hbm>> -> memref<4096xf32, #tpu.memory_space<hbm>>
      %dma_start3A_143 = arith.constant 16384 : i32
      %dma_start3A_144 = tpu.memref_slice %arg20[%dma_start3A_143] : memref<24576xf32, #tpu.memory_space<vmem>> -> memref<4096xf32, #tpu.memory_space<vmem>>
      tpu.enqueue_dma source(%dma_start3A_144 : memref<4096xf32, #tpu.memory_space<vmem>>) target(%dma_start3A_142 : memref<4096xf32, #tpu.memory_space<hbm>>) target_semaphore(%run_scoped3A : memref<!tpu.dma_semaphore, #tpu.memory_space<semaphore_mem>>)
      %dma_wait3A = arith.constant 16384 : i32
      %dma_wait3A_145 = tpu.memref_slice %arg20[%dma_wait3A] : memref<24576xf32, #tpu.memory_space<vmem>> -> memref<4096xf32, #tpu.memory_space<vmem>>
      %dma_wait3A_146 = tpu.memref_slice %arg6[%add3A_135] : memref<786432xf32, #tpu.memory_space<hbm>> -> memref<4096xf32, #tpu.memory_space<hbm>>
      %dma_wait3A_147 = tpu.memref_slice %arg6[%add3A_135] : memref<786432xf32, #tpu.memory_space<hbm>> -> memref<4096xf32, #tpu.memory_space<hbm>>
      %dma_wait3A_148 = arith.constant 16384 : i32
      %dma_wait3A_149 = tpu.memref_slice %arg20[%dma_wait3A_148] : memref<24576xf32, #tpu.memory_space<vmem>> -> memref<4096xf32, #tpu.memory_space<vmem>>
      tpu.wait_dma2 semaphore(%run_scoped3A : memref<!tpu.dma_semaphore, #tpu.memory_space<semaphore_mem>>) src(%dma_wait3A_149 : memref<4096xf32, #tpu.memory_space<vmem>>) dst(%dma_wait3A_147 : memref<4096xf32, #tpu.memory_space<hbm>>)
      tpu.yield
    }) : () -> ()
    %mul3A_136 = arith.constant 4096 : i32
    %mul3A_137 = arith.muli %add3A, %mul3A_136 : i32
    %add3A_138 = arith.constant 655360 : i32
    %add3A_139 = arith.addi %add3A_138, %mul3A_137 : i32
    "tpu.region"() ({
      %run_scoped3A = tpu.sem_alloc : memref<!tpu.dma_semaphore, #tpu.memory_space<semaphore_mem>>
      %dma_start3A = arith.constant 20480 : i32
      %dma_start3A_140 = tpu.memref_slice %arg20[%dma_start3A] : memref<24576xf32, #tpu.memory_space<vmem>> -> memref<4096xf32, #tpu.memory_space<vmem>>
      %dma_start3A_141 = tpu.memref_slice %arg6[%add3A_139] : memref<786432xf32, #tpu.memory_space<hbm>> -> memref<4096xf32, #tpu.memory_space<hbm>>
      %dma_start3A_142 = tpu.memref_slice %arg6[%add3A_139] : memref<786432xf32, #tpu.memory_space<hbm>> -> memref<4096xf32, #tpu.memory_space<hbm>>
      %dma_start3A_143 = arith.constant 20480 : i32
      %dma_start3A_144 = tpu.memref_slice %arg20[%dma_start3A_143] : memref<24576xf32, #tpu.memory_space<vmem>> -> memref<4096xf32, #tpu.memory_space<vmem>>
      tpu.enqueue_dma source(%dma_start3A_144 : memref<4096xf32, #tpu.memory_space<vmem>>) target(%dma_start3A_142 : memref<4096xf32, #tpu.memory_space<hbm>>) target_semaphore(%run_scoped3A : memref<!tpu.dma_semaphore, #tpu.memory_space<semaphore_mem>>)
      %dma_wait3A = arith.constant 20480 : i32
      %dma_wait3A_145 = tpu.memref_slice %arg20[%dma_wait3A] : memref<24576xf32, #tpu.memory_space<vmem>> -> memref<4096xf32, #tpu.memory_space<vmem>>
      %dma_wait3A_146 = tpu.memref_slice %arg6[%add3A_139] : memref<786432xf32, #tpu.memory_space<hbm>> -> memref<4096xf32, #tpu.memory_space<hbm>>
      %dma_wait3A_147 = tpu.memref_slice %arg6[%add3A_139] : memref<786432xf32, #tpu.memory_space<hbm>> -> memref<4096xf32, #tpu.memory_space<hbm>>
      %dma_wait3A_148 = arith.constant 20480 : i32
      %dma_wait3A_149 = tpu.memref_slice %arg20[%dma_wait3A_148] : memref<24576xf32, #tpu.memory_space<vmem>> -> memref<4096xf32, #tpu.memory_space<vmem>>
      tpu.wait_dma2 semaphore(%run_scoped3A : memref<!tpu.dma_semaphore, #tpu.memory_space<semaphore_mem>>) src(%dma_wait3A_149 : memref<4096xf32, #tpu.memory_space<vmem>>) dst(%dma_wait3A_147 : memref<4096xf32, #tpu.memory_space<hbm>>)
      tpu.yield
    }) : () -> ()
    return
  }
}

module attributes {stable_mosaic.version = 14 : i64} {
  func.func @_fps_body(%arg0: memref<3x8x4096xf32, #tpu.memory_space<vmem>>, %arg1: memref<8x1xi32, #tpu.memory_space<vmem>>, %arg2: memref<3x8x512xf32, #tpu.memory_space<vmem>>, %arg3: memref<8x4096xf32, #tpu.memory_space<vmem>>) attributes {dimension_semantics = [], scalar_prefetch = 0 : i64, scratch_operands = 0 : i64, tpu.core_type = #tpu.core_type<tc>} {
    %get3A = arith.constant 0 : index
    %get3A_0 = arith.constant 0 : index
    %get3A_1 = arith.constant 0 : index
    %get3A_2 = vector.load %arg0[%get3A, %get3A_0, %get3A_1] : memref<3x8x4096xf32, #tpu.memory_space<vmem>>, vector<1x8x4096xf32>
    %get3A_3 = vector.shape_cast %get3A_2 : vector<1x8x4096xf32> to vector<8x4096xf32>
    %get3A_4 = arith.constant 1 : index
    %get3A_5 = arith.constant 0 : index
    %get3A_6 = arith.constant 0 : index
    %get3A_7 = vector.load %arg0[%get3A_4, %get3A_5, %get3A_6] : memref<3x8x4096xf32, #tpu.memory_space<vmem>>, vector<1x8x4096xf32>
    %get3A_8 = vector.shape_cast %get3A_7 : vector<1x8x4096xf32> to vector<8x4096xf32>
    %get3A_9 = arith.constant 2 : index
    %get3A_10 = arith.constant 0 : index
    %get3A_11 = arith.constant 0 : index
    %get3A_12 = vector.load %arg0[%get3A_9, %get3A_10, %get3A_11] : memref<3x8x4096xf32, #tpu.memory_space<vmem>>, vector<1x8x4096xf32>
    %get3A_13 = vector.shape_cast %get3A_12 : vector<1x8x4096xf32> to vector<8x4096xf32>
    %mul3A = arith.mulf %get3A_3, %get3A_3 : vector<8x4096xf32>
    %mul3A_14 = arith.mulf %get3A_8, %get3A_8 : vector<8x4096xf32>
    %add3A = arith.addf %mul3A, %mul3A_14 : vector<8x4096xf32>
    %mul3A_15 = arith.mulf %get3A_13, %get3A_13 : vector<8x4096xf32>
    %add3A_16 = arith.addf %add3A, %mul3A_15 : vector<8x4096xf32>
    %swap3A = arith.constant 0 : index
    %swap3A_17 = arith.constant 0 : index
    %swap3A_18 = vector.load %arg3[%swap3A, %swap3A_17] : memref<8x4096xf32, #tpu.memory_space<vmem>>, vector<8x4096xf32>
    tpu.vector_store %arg3[%swap3A, %swap3A_17], %add3A_16 {strides = array<i32>} : memref<8x4096xf32, #tpu.memory_space<vmem>>, vector<8x4096xf32>,
    %iota3A = tpu.iota {dimensions = array<i32: 1>} : vector<8x4096xi32>
    %iota3A_19 = tpu.iota {dimensions = array<i32: 1>} : vector<8x512xi32>
    %broadcast_in_dim3A = arith.constant 0x7F800000 : f32
    %broadcast_in_dim3A_20 = vector.broadcast %broadcast_in_dim3A : f32 to vector<8x4096xf32>
    %broadcast_in_dim3A_21 = arith.constant 0.000000e+00 : f32
    %broadcast_in_dim3A_22 = vector.broadcast %broadcast_in_dim3A_21 : f32 to vector<8x512xf32>
    %get3A_23 = arith.constant 0 : index
    %get3A_24 = arith.constant 0 : index
    %get3A_25 = vector.load %arg1[%get3A_23, %get3A_24] : memref<8x1xi32, #tpu.memory_space<vmem>>, vector<8x1xi32>
    %scan3A = arith.constant 0 : i32
    %scan3A_26 = arith.constant 512 : i32
    %scan3A_27 = arith.addi %scan3A, %scan3A_26 : i32
    %scan3A_28 = arith.constant 1 : i32
    %scan3A_29:5 = scf.for %scan3A_49 = %scan3A to %scan3A_27 step %scan3A_28 iter_args(%scan3A_50 = %broadcast_in_dim3A_20, %scan3A_51 = %get3A_25, %scan3A_52 = %broadcast_in_dim3A_22, %scan3A_53 = %broadcast_in_dim3A_22, %scan3A_54 = %broadcast_in_dim3A_22) -> (vector<8x4096xf32>, vector<8x1xi32>, vector<8x512xf32>, vector<8x512xf32>, vector<8x512xf32>)  : i32 {
      %eq3A = vector.broadcast %scan3A_51 : vector<8x1xi32> to vector<8x4096xi32>
      %eq3A_55 = arith.cmpi eq, %iota3A, %eq3A : vector<8x4096xi32>
      %jit3A = arith.constant 0.000000e+00 : f32
      %broadcast_in_dim3A_56 = vector.broadcast %jit3A : f32 to vector<8x4096xf32>
      %select_n3A = arith.select %eq3A_55, %get3A_3, %broadcast_in_dim3A_56 : vector<8x4096xi1>, vector<8x4096xf32>
      %reduce_sum3A = arith.constant dense<0.000000e+00> : vector<8xf32>
      %reduce_sum3A_57 = vector.multi_reduction <add>, %select_n3A, %reduce_sum3A [1] : vector<8x4096xf32> to vector<8xf32>
      %broadcast_in_dim3A_58 = vector.shape_cast %reduce_sum3A_57 : vector<8xf32> to vector<8x1xf32>
      %jit3A_59 = arith.constant 0.000000e+00 : f32
      %broadcast_in_dim3A_60 = vector.broadcast %jit3A_59 : f32 to vector<8x4096xf32>
      %select_n3A_61 = arith.select %eq3A_55, %get3A_8, %broadcast_in_dim3A_60 : vector<8x4096xi1>, vector<8x4096xf32>
      %reduce_sum3A_62 = arith.constant dense<0.000000e+00> : vector<8xf32>
      %reduce_sum3A_63 = vector.multi_reduction <add>, %select_n3A_61, %reduce_sum3A_62 [1] : vector<8x4096xf32> to vector<8xf32>
      %broadcast_in_dim3A_64 = vector.shape_cast %reduce_sum3A_63 : vector<8xf32> to vector<8x1xf32>
      %jit3A_65 = arith.constant 0.000000e+00 : f32
      %broadcast_in_dim3A_66 = vector.broadcast %jit3A_65 : f32 to vector<8x4096xf32>
      %select_n3A_67 = arith.select %eq3A_55, %get3A_13, %broadcast_in_dim3A_66 : vector<8x4096xi1>, vector<8x4096xf32>
      %reduce_sum3A_68 = arith.constant dense<0.000000e+00> : vector<8xf32>
      %reduce_sum3A_69 = vector.multi_reduction <add>, %select_n3A_67, %reduce_sum3A_68 [1] : vector<8x4096xf32> to vector<8xf32>
      %broadcast_in_dim3A_70 = vector.shape_cast %reduce_sum3A_69 : vector<8xf32> to vector<8x1xf32>
      %eq3A_71 = vector.broadcast %scan3A_49 : i32 to vector<8x512xi32>
      %eq3A_72 = arith.cmpi eq, %iota3A_19, %eq3A_71 : vector<8x512xi32>
      %broadcast_in_dim3A_73 = vector.shape_cast %broadcast_in_dim3A_58 : vector<8x1xf32> to vector<8x1xf32>
      %broadcast_in_dim3A_74 = vector.broadcast %broadcast_in_dim3A_73 : vector<8x1xf32> to vector<8x512xf32>
      %select_n3A_75 = arith.select %eq3A_72, %broadcast_in_dim3A_74, %scan3A_52 : vector<8x512xi1>, vector<8x512xf32>
      %broadcast_in_dim3A_76 = vector.shape_cast %broadcast_in_dim3A_64 : vector<8x1xf32> to vector<8x1xf32>
      %broadcast_in_dim3A_77 = vector.broadcast %broadcast_in_dim3A_76 : vector<8x1xf32> to vector<8x512xf32>
      %select_n3A_78 = arith.select %eq3A_72, %broadcast_in_dim3A_77, %scan3A_53 : vector<8x512xi1>, vector<8x512xf32>
      %broadcast_in_dim3A_79 = vector.shape_cast %broadcast_in_dim3A_70 : vector<8x1xf32> to vector<8x1xf32>
      %broadcast_in_dim3A_80 = vector.broadcast %broadcast_in_dim3A_79 : vector<8x1xf32> to vector<8x512xf32>
      %select_n3A_81 = arith.select %eq3A_72, %broadcast_in_dim3A_80, %scan3A_54 : vector<8x512xi1>, vector<8x512xf32>
      %sub3A = vector.broadcast %broadcast_in_dim3A_58 : vector<8x1xf32> to vector<8x4096xf32>
      %sub3A_82 = arith.subf %get3A_3, %sub3A : vector<8x4096xf32>
      %sub3A_83 = vector.broadcast %broadcast_in_dim3A_64 : vector<8x1xf32> to vector<8x4096xf32>
      %sub3A_84 = arith.subf %get3A_8, %sub3A_83 : vector<8x4096xf32>
      %sub3A_85 = vector.broadcast %broadcast_in_dim3A_70 : vector<8x1xf32> to vector<8x4096xf32>
      %sub3A_86 = arith.subf %get3A_13, %sub3A_85 : vector<8x4096xf32>
      %mul3A_87 = arith.mulf %sub3A_82, %sub3A_82 : vector<8x4096xf32>
      %mul3A_88 = arith.mulf %sub3A_84, %sub3A_84 : vector<8x4096xf32>
      %add3A_89 = arith.addf %mul3A_87, %mul3A_88 : vector<8x4096xf32>
      %mul3A_90 = arith.mulf %sub3A_86, %sub3A_86 : vector<8x4096xf32>
      %add3A_91 = arith.addf %add3A_89, %mul3A_90 : vector<8x4096xf32>
      %min3A = arith.minimumf %scan3A_50, %add3A_91 : vector<8x4096xf32>
      %reduce_max3A = arith.constant dense<0xFF800000> : vector<8xf32>
      %reduce_max3A_92 = vector.multi_reduction <maximumf>, %min3A, %reduce_max3A [1] : vector<8x4096xf32> to vector<8xf32>
      %broadcast_in_dim3A_93 = vector.shape_cast %reduce_max3A_92 : vector<8xf32> to vector<8x1xf32>
      %eq3A_94 = vector.broadcast %broadcast_in_dim3A_93 : vector<8x1xf32> to vector<8x4096xf32>
      %eq3A_95 = arith.cmpf oeq, %min3A, %eq3A_94 : vector<8x4096xf32>
      %jit3A_96 = arith.constant 4096 : i32
      %broadcast_in_dim3A_97 = vector.broadcast %jit3A_96 : i32 to vector<8x4096xi32>
      %select_n3A_98 = arith.select %eq3A_95, %iota3A, %broadcast_in_dim3A_97 : vector<8x4096xi1>, vector<8x4096xi32>
      %reduce_min3A = arith.constant dense<2147483647> : vector<8xi32>
      %reduce_min3A_99 = vector.multi_reduction <minsi>, %select_n3A_98, %reduce_min3A [1] : vector<8x4096xi32> to vector<8xi32>
      %broadcast_in_dim3A_100 = vector.shape_cast %reduce_min3A_99 : vector<8xi32> to vector<8x1xi32>
      scf.yield %min3A, %broadcast_in_dim3A_100, %select_n3A_75, %select_n3A_78, %select_n3A_81 : vector<8x4096xf32>, vector<8x1xi32>, vector<8x512xf32>, vector<8x512xf32>, vector<8x512xf32>
    }
    %scan3A_30 = arith.constant 512 : i32
    %swap3A_31 = arith.constant 0 : index
    %swap3A_32 = arith.constant 0 : index
    %swap3A_33 = arith.constant 0 : index
    %swap3A_34 = vector.load %arg2[%swap3A_31, %swap3A_32, %swap3A_33] : memref<3x8x512xf32, #tpu.memory_space<vmem>>, vector<1x8x512xf32>
    %swap3A_35 = vector.shape_cast %swap3A_34 : vector<1x8x512xf32> to vector<8x512xf32>
    %swap3A_36 = vector.shape_cast %scan3A_29#2 : vector<8x512xf32> to vector<1x8x512xf32>
    tpu.vector_store %arg2[%swap3A_31, %swap3A_32, %swap3A_33], %swap3A_36 {strides = array<i32>} : memref<3x8x512xf32, #tpu.memory_space<vmem>>, vector<1x8x512xf32>,
    %swap3A_37 = arith.constant 1 : index
    %swap3A_38 = arith.constant 0 : index
    %swap3A_39 = arith.constant 0 : index
    %swap3A_40 = vector.load %arg2[%swap3A_37, %swap3A_38, %swap3A_39] : memref<3x8x512xf32, #tpu.memory_space<vmem>>, vector<1x8x512xf32>
    %swap3A_41 = vector.shape_cast %swap3A_40 : vector<1x8x512xf32> to vector<8x512xf32>
    %swap3A_42 = vector.shape_cast %scan3A_29#3 : vector<8x512xf32> to vector<1x8x512xf32>
    tpu.vector_store %arg2[%swap3A_37, %swap3A_38, %swap3A_39], %swap3A_42 {strides = array<i32>} : memref<3x8x512xf32, #tpu.memory_space<vmem>>, vector<1x8x512xf32>,
    %swap3A_43 = arith.constant 2 : index
    %swap3A_44 = arith.constant 0 : index
    %swap3A_45 = arith.constant 0 : index
    %swap3A_46 = vector.load %arg2[%swap3A_43, %swap3A_44, %swap3A_45] : memref<3x8x512xf32, #tpu.memory_space<vmem>>, vector<1x8x512xf32>
    %swap3A_47 = vector.shape_cast %swap3A_46 : vector<1x8x512xf32> to vector<8x512xf32>
    %swap3A_48 = vector.shape_cast %scan3A_29#4 : vector<8x512xf32> to vector<1x8x512xf32>
    tpu.vector_store %arg2[%swap3A_43, %swap3A_44, %swap3A_45], %swap3A_48 {strides = array<i32>} : memref<3x8x512xf32, #tpu.memory_space<vmem>>, vector<1x8x512xf32>,
    return
  }
}

module attributes {stable_mosaic.version = 14 : i64} {
  func.func @_lmid_body(%arg0: i32, %arg1: memref<32x4096xf32, #tpu.memory_space<vmem>>, %arg2: memref<32x1xf32, #tpu.memory_space<vmem>>, %arg3: memref<32x1xf32, #tpu.memory_space<vmem>>, %arg4: memref<32x1xf32, #tpu.memory_space<vmem>>, %arg5: memref<32x1xf32, #tpu.memory_space<vmem>>, %arg6: memref<32x32xf32, #tpu.memory_space<vmem>>, %arg7: memref<32x1xf32, #tpu.memory_space<vmem>>, %arg8: memref<32x4096xf32, #tpu.memory_space<vmem>>, %arg9: memref<32x1xf32, #tpu.memory_space<vmem>>, %arg10: memref<32x1xf32, #tpu.memory_space<vmem>>) attributes {dimension_semantics = [#tpu.dimension_semantics<arbitrary>], iteration_bounds = array<i64: 32>, scalar_prefetch = 0 : i64, scratch_operands = 0 : i64, tpu.core_type = #tpu.core_type<tc>, window_params = [{transform_indices = @transform_0, window_bounds = array<i64: 32, 4096>}, {pipeline_mode = #tpu.pipeline_mode<synchronous>, transform_indices = @transform_1, window_bounds = array<i64: 32, 1>}, {pipeline_mode = #tpu.pipeline_mode<synchronous>, transform_indices = @transform_2, window_bounds = array<i64: 32, 1>}, {pipeline_mode = #tpu.pipeline_mode<synchronous>, transform_indices = @transform_3, window_bounds = array<i64: 32, 1>}, {pipeline_mode = #tpu.pipeline_mode<synchronous>, transform_indices = @transform_4, window_bounds = array<i64: 32, 1>}, {pipeline_mode = #tpu.pipeline_mode<synchronous>, transform_indices = @transform_5, window_bounds = array<i64: 32, 32>}, {pipeline_mode = #tpu.pipeline_mode<synchronous>, transform_indices = @transform_6, window_bounds = array<i64: 32, 1>}, {transform_indices = @transform_7, window_bounds = array<i64: 32, 4096>}, {pipeline_mode = #tpu.pipeline_mode<synchronous>, transform_indices = @transform_8, window_bounds = array<i64: 32, 1>}, {pipeline_mode = #tpu.pipeline_mode<synchronous>, transform_indices = @transform_9, window_bounds = array<i64: 32, 1>}]} {
    %get3A = arith.constant 0 : index
    %get3A_0 = arith.constant 0 : index
    %get3A_1 = vector.load %arg2[%get3A, %get3A_0] : memref<32x1xf32, #tpu.memory_space<vmem>>, vector<32x1xf32>
    %div3A = arith.constant 1.310720e+05 : f32
    %div3A_2 = vector.broadcast %div3A : f32 to vector<32x1xf32>
    %div3A_3 = arith.divf %get3A_1, %div3A_2 : vector<32x1xf32>
    %get3A_4 = arith.constant 0 : index
    %get3A_5 = arith.constant 0 : index
    %get3A_6 = vector.load %arg3[%get3A_4, %get3A_5] : memref<32x1xf32, #tpu.memory_space<vmem>>, vector<32x1xf32>
    %div3A_7 = arith.constant 1.310720e+05 : f32
    %div3A_8 = vector.broadcast %div3A_7 : f32 to vector<32x1xf32>
    %div3A_9 = arith.divf %get3A_6, %div3A_8 : vector<32x1xf32>
    %mul3A = arith.mulf %div3A_3, %div3A_3 : vector<32x1xf32>
    %sub3A = arith.subf %div3A_9, %mul3A : vector<32x1xf32>
    %get3A_10 = arith.constant 0 : index
    %get3A_11 = arith.constant 0 : index
    %get3A_12 = vector.load %arg4[%get3A_10, %get3A_11] : memref<32x1xf32, #tpu.memory_space<vmem>>, vector<32x1xf32>
    %add3A = arith.constant 9.99999974E-6 : f32
    %add3A_13 = vector.broadcast %add3A : f32 to vector<32x1xf32>
    %add3A_14 = arith.addf %sub3A, %add3A_13 : vector<32x1xf32>
    %sqrt3A = math.sqrt %add3A_14 : vector<32x1xf32>
    %div3A_15 = arith.divf %get3A_12, %sqrt3A : vector<32x1xf32>
    %get3A_16 = arith.constant 0 : index
    %get3A_17 = arith.constant 0 : index
    %get3A_18 = vector.load %arg5[%get3A_16, %get3A_17] : memref<32x1xf32, #tpu.memory_space<vmem>>, vector<32x1xf32>
    %mul3A_19 = arith.mulf %div3A_3, %div3A_15 : vector<32x1xf32>
    %sub3A_20 = arith.subf %get3A_18, %mul3A_19 : vector<32x1xf32>
    %get3A_21 = arith.constant 0 : index
    %get3A_22 = arith.constant 0 : index
    %get3A_23 = vector.load %arg1[%get3A_21, %get3A_22] : memref<32x4096xf32, #tpu.memory_space<vmem>>, vector<32x4096xf32>
    %mul3A_24 = vector.broadcast %div3A_15 : vector<32x1xf32> to vector<32x4096xf32>
    %mul3A_25 = arith.mulf %get3A_23, %mul3A_24 : vector<32x4096xf32>
    %add3A_26 = vector.broadcast %sub3A_20 : vector<32x1xf32> to vector<32x4096xf32>
    %add3A_27 = arith.addf %mul3A_25, %add3A_26 : vector<32x4096xf32>
    %max3A = arith.constant 0.000000e+00 : f32
    %max3A_28 = vector.broadcast %max3A : f32 to vector<32x4096xf32>
    %max3A_29 = arith.maximumf %add3A_27, %max3A_28 : vector<32x4096xf32>
    %get3A_30 = arith.constant 0 : index
    %get3A_31 = arith.constant 0 : index
    %get3A_32 = vector.load %arg6[%get3A_30, %get3A_31] : memref<32x32xf32, #tpu.memory_space<vmem>>, vector<32x32xf32>
    %dot_general3A = arith.constant dense<0.000000e+00> : vector<32x4096xf32>
    %dot_general3A_33 = tpu.matmul %get3A_32, %max3A_29, %dot_general3A {dimension_numbers = #tpu.dot_dimension_numbers<[1], [0], [0], [1], [0, 0, 1, 1], [], []>, transpose_lhs_hint = false} : vector<32x32xf32>, vector<32x4096xf32>, vector<32x4096xf32> -> vector<32x4096xf32>
    %get3A_34 = arith.constant 0 : index
    %get3A_35 = arith.constant 0 : index
    %get3A_36 = vector.load %arg7[%get3A_34, %get3A_35] : memref<32x1xf32, #tpu.memory_space<vmem>>, vector<32x1xf32>
    %add3A_37 = vector.broadcast %get3A_36 : vector<32x1xf32> to vector<32x4096xf32>
    %add3A_38 = arith.addf %dot_general3A_33, %add3A_37 : vector<32x4096xf32>
    %swap3A = arith.constant 0 : index
    %swap3A_39 = arith.constant 0 : index
    %swap3A_40 = vector.load %arg8[%swap3A, %swap3A_39] : memref<32x4096xf32, #tpu.memory_space<vmem>>, vector<32x4096xf32>
    tpu.vector_store %arg8[%swap3A, %swap3A_39], %add3A_38 {strides = array<i32>} : memref<32x4096xf32, #tpu.memory_space<vmem>>, vector<32x4096xf32>,
    %eq3A = arith.constant 0 : i32
    %eq3A_41 = arith.cmpi eq, %arg0, %eq3A : i32
    %convert_element_type3A = arith.extui %eq3A_41 : i1 to i32
    %cond3A = arith.constant 0 : i32
    %cond3A_42 = arith.cmpi ne, %convert_element_type3A, %cond3A : i32
    scf.if %cond3A_42 {
      %broadcast_in_dim3A_62 = arith.constant 0.000000e+00 : f32
      %broadcast_in_dim3A_63 = vector.broadcast %broadcast_in_dim3A_62 : f32 to vector<32x1xf32>
      %swap3A_64 = arith.constant 0 : index
      %swap3A_65 = arith.constant 0 : index
      %swap3A_66 = vector.load %arg9[%swap3A_64, %swap3A_65] : memref<32x1xf32, #tpu.memory_space<vmem>>, vector<32x1xf32>
      tpu.vector_store %arg9[%swap3A_64, %swap3A_65], %broadcast_in_dim3A_63 {strides = array<i32>} : memref<32x1xf32, #tpu.memory_space<vmem>>, vector<32x1xf32>,
      %broadcast_in_dim3A_67 = arith.constant 0.000000e+00 : f32
      %broadcast_in_dim3A_68 = vector.broadcast %broadcast_in_dim3A_67 : f32 to vector<32x1xf32>
      %swap3A_69 = arith.constant 0 : index
      %swap3A_70 = arith.constant 0 : index
      %swap3A_71 = vector.load %arg10[%swap3A_69, %swap3A_70] : memref<32x1xf32, #tpu.memory_space<vmem>>, vector<32x1xf32>
      tpu.vector_store %arg10[%swap3A_69, %swap3A_70], %broadcast_in_dim3A_68 {strides = array<i32>} : memref<32x1xf32, #tpu.memory_space<vmem>>, vector<32x1xf32>,
    } else {
    }
    %get3A_43 = arith.constant 0 : index
    %get3A_44 = arith.constant 0 : index
    %get3A_45 = vector.load %arg9[%get3A_43, %get3A_44] : memref<32x1xf32, #tpu.memory_space<vmem>>, vector<32x1xf32>
    %reduce_sum3A = arith.constant dense<0.000000e+00> : vector<32xf32>
    %reduce_sum3A_46 = vector.multi_reduction <add>, %add3A_38, %reduce_sum3A [1] : vector<32x4096xf32> to vector<32xf32>
    %broadcast_in_dim3A = vector.shape_cast %reduce_sum3A_46 : vector<32xf32> to vector<32x1xf32>
    %add3A_47 = arith.addf %get3A_45, %broadcast_in_dim3A : vector<32x1xf32>
    %swap3A_48 = arith.constant 0 : index
    %swap3A_49 = arith.constant 0 : index
    %swap3A_50 = vector.load %arg9[%swap3A_48, %swap3A_49] : memref<32x1xf32, #tpu.memory_space<vmem>>, vector<32x1xf32>
    tpu.vector_store %arg9[%swap3A_48, %swap3A_49], %add3A_47 {strides = array<i32>} : memref<32x1xf32, #tpu.memory_space<vmem>>, vector<32x1xf32>,
    %get3A_51 = arith.constant 0 : index
    %get3A_52 = arith.constant 0 : index
    %get3A_53 = vector.load %arg10[%get3A_51, %get3A_52] : memref<32x1xf32, #tpu.memory_space<vmem>>, vector<32x1xf32>
    %mul3A_54 = arith.mulf %add3A_38, %add3A_38 : vector<32x4096xf32>
    %reduce_sum3A_55 = arith.constant dense<0.000000e+00> : vector<32xf32>
    %reduce_sum3A_56 = vector.multi_reduction <add>, %mul3A_54, %reduce_sum3A_55 [1] : vector<32x4096xf32> to vector<32xf32>
    %broadcast_in_dim3A_57 = vector.shape_cast %reduce_sum3A_56 : vector<32xf32> to vector<32x1xf32>
    %add3A_58 = arith.addf %get3A_53, %broadcast_in_dim3A_57 : vector<32x1xf32>
    %swap3A_59 = arith.constant 0 : index
    %swap3A_60 = arith.constant 0 : index
    %swap3A_61 = vector.load %arg10[%swap3A_59, %swap3A_60] : memref<32x1xf32, #tpu.memory_space<vmem>>, vector<32x1xf32>
    tpu.vector_store %arg10[%swap3A_59, %swap3A_60], %add3A_58 {strides = array<i32>} : memref<32x1xf32, #tpu.memory_space<vmem>>, vector<32x1xf32>,
    return
  }
  func.func @transform_0(%arg0: i32) -> (i32, i32) {
    %c0_i32 = arith.constant 0 : i32
    %c0_i32_0 = arith.constant 0 : i32
    return %c0_i32, %arg0 : i32, i32
  }
  func.func @transform_1(%arg0: i32) -> (i32, i32) {
    %c0_i32 = arith.constant 0 : i32
    %c0_i32_0 = arith.constant 0 : i32
    %c0_i32_1 = arith.constant 0 : i32
    return %c0_i32, %c0_i32_0 : i32, i32
  }
  func.func @transform_2(%arg0: i32) -> (i32, i32) {
    %c0_i32 = arith.constant 0 : i32
    %c0_i32_0 = arith.constant 0 : i32
    %c0_i32_1 = arith.constant 0 : i32
    return %c0_i32, %c0_i32_0 : i32, i32
  }
  func.func @transform_3(%arg0: i32) -> (i32, i32) {
    %c0_i32 = arith.constant 0 : i32
    %c0_i32_0 = arith.constant 0 : i32
    %c0_i32_1 = arith.constant 0 : i32
    return %c0_i32, %c0_i32_0 : i32, i32
  }
  func.func @transform_4(%arg0: i32) -> (i32, i32) {
    %c0_i32 = arith.constant 0 : i32
    %c0_i32_0 = arith.constant 0 : i32
    %c0_i32_1 = arith.constant 0 : i32
    return %c0_i32, %c0_i32_0 : i32, i32
  }
  func.func @transform_5(%arg0: i32) -> (i32, i32) {
    %c0_i32 = arith.constant 0 : i32
    %c0_i32_0 = arith.constant 0 : i32
    %c0_i32_1 = arith.constant 0 : i32
    return %c0_i32, %c0_i32_0 : i32, i32
  }
  func.func @transform_6(%arg0: i32) -> (i32, i32) {
    %c0_i32 = arith.constant 0 : i32
    %c0_i32_0 = arith.constant 0 : i32
    %c0_i32_1 = arith.constant 0 : i32
    return %c0_i32, %c0_i32_0 : i32, i32
  }
  func.func @transform_7(%arg0: i32) -> (i32, i32) {
    %c0_i32 = arith.constant 0 : i32
    %c0_i32_0 = arith.constant 0 : i32
    return %c0_i32, %arg0 : i32, i32
  }
  func.func @transform_8(%arg0: i32) -> (i32, i32) {
    %c0_i32 = arith.constant 0 : i32
    %c0_i32_0 = arith.constant 0 : i32
    %c0_i32_1 = arith.constant 0 : i32
    return %c0_i32, %c0_i32_0 : i32, i32
  }
  func.func @transform_9(%arg0: i32) -> (i32, i32) {
    %c0_i32 = arith.constant 0 : i32
    %c0_i32_0 = arith.constant 0 : i32
    %c0_i32_1 = arith.constant 0 : i32
    return %c0_i32, %c0_i32_0 : i32, i32
  }
}

module attributes {stable_mosaic.version = 14 : i64} {
  func.func @_l1_body(%arg0: i32, %arg1: memref<6x4096xf32, #tpu.memory_space<vmem>>, %arg2: memref<32x6xf32, #tpu.memory_space<vmem>>, %arg3: memref<32x1xf32, #tpu.memory_space<vmem>>, %arg4: memref<32x4096xf32, #tpu.memory_space<vmem>>, %arg5: memref<32x1xf32, #tpu.memory_space<vmem>>, %arg6: memref<32x1xf32, #tpu.memory_space<vmem>>) attributes {dimension_semantics = [#tpu.dimension_semantics<arbitrary>], iteration_bounds = array<i64: 32>, scalar_prefetch = 0 : i64, scratch_operands = 0 : i64, tpu.core_type = #tpu.core_type<tc>, window_params = [{transform_indices = @transform_0, window_bounds = array<i64: 6, 4096>}, {pipeline_mode = #tpu.pipeline_mode<synchronous>, transform_indices = @transform_1, window_bounds = array<i64: 32, 6>}, {pipeline_mode = #tpu.pipeline_mode<synchronous>, transform_indices = @transform_2, window_bounds = array<i64: 32, 1>}, {transform_indices = @transform_3, window_bounds = array<i64: 32, 4096>}, {pipeline_mode = #tpu.pipeline_mode<synchronous>, transform_indices = @transform_4, window_bounds = array<i64: 32, 1>}, {pipeline_mode = #tpu.pipeline_mode<synchronous>, transform_indices = @transform_5, window_bounds = array<i64: 32, 1>}]} {
    %get3A = arith.constant 0 : index
    %get3A_0 = arith.constant 0 : index
    %get3A_1 = vector.load %arg2[%get3A, %get3A_0] : memref<32x6xf32, #tpu.memory_space<vmem>>, vector<32x6xf32>
    %get3A_2 = arith.constant 0 : index
    %get3A_3 = arith.constant 0 : index
    %get3A_4 = vector.load %arg1[%get3A_2, %get3A_3] : memref<6x4096xf32, #tpu.memory_space<vmem>>, vector<6x4096xf32>
    %dot_general3A = arith.constant dense<0.000000e+00> : vector<32x4096xf32>
    %dot_general3A_5 = tpu.matmul %get3A_1, %get3A_4, %dot_general3A {dimension_numbers = #tpu.dot_dimension_numbers<[1], [0], [0], [1], [0, 0, 1, 1], [], []>, transpose_lhs_hint = false} : vector<32x6xf32>, vector<6x4096xf32>, vector<32x4096xf32> -> vector<32x4096xf32>
    %get3A_6 = arith.constant 0 : index
    %get3A_7 = arith.constant 0 : index
    %get3A_8 = vector.load %arg3[%get3A_6, %get3A_7] : memref<32x1xf32, #tpu.memory_space<vmem>>, vector<32x1xf32>
    %add3A = vector.broadcast %get3A_8 : vector<32x1xf32> to vector<32x4096xf32>
    %add3A_9 = arith.addf %dot_general3A_5, %add3A : vector<32x4096xf32>
    %swap3A = arith.constant 0 : index
    %swap3A_10 = arith.constant 0 : index
    %swap3A_11 = vector.load %arg4[%swap3A, %swap3A_10] : memref<32x4096xf32, #tpu.memory_space<vmem>>, vector<32x4096xf32>
    tpu.vector_store %arg4[%swap3A, %swap3A_10], %add3A_9 {strides = array<i32>} : memref<32x4096xf32, #tpu.memory_space<vmem>>, vector<32x4096xf32>,
    %eq3A = arith.constant 0 : i32
    %eq3A_12 = arith.cmpi eq, %arg0, %eq3A : i32
    %convert_element_type3A = arith.extui %eq3A_12 : i1 to i32
    %cond3A = arith.constant 0 : i32
    %cond3A_13 = arith.cmpi ne, %convert_element_type3A, %cond3A : i32
    scf.if %cond3A_13 {
      %broadcast_in_dim3A_32 = arith.constant 0.000000e+00 : f32
      %broadcast_in_dim3A_33 = vector.broadcast %broadcast_in_dim3A_32 : f32 to vector<32x1xf32>
      %swap3A_34 = arith.constant 0 : index
      %swap3A_35 = arith.constant 0 : index
      %swap3A_36 = vector.load %arg5[%swap3A_34, %swap3A_35] : memref<32x1xf32, #tpu.memory_space<vmem>>, vector<32x1xf32>
      tpu.vector_store %arg5[%swap3A_34, %swap3A_35], %broadcast_in_dim3A_33 {strides = array<i32>} : memref<32x1xf32, #tpu.memory_space<vmem>>, vector<32x1xf32>,
      %broadcast_in_dim3A_37 = arith.constant 0.000000e+00 : f32
      %broadcast_in_dim3A_38 = vector.broadcast %broadcast_in_dim3A_37 : f32 to vector<32x1xf32>
      %swap3A_39 = arith.constant 0 : index
      %swap3A_40 = arith.constant 0 : index
      %swap3A_41 = vector.load %arg6[%swap3A_39, %swap3A_40] : memref<32x1xf32, #tpu.memory_space<vmem>>, vector<32x1xf32>
      tpu.vector_store %arg6[%swap3A_39, %swap3A_40], %broadcast_in_dim3A_38 {strides = array<i32>} : memref<32x1xf32, #tpu.memory_space<vmem>>, vector<32x1xf32>,
    } else {
    }
    %get3A_14 = arith.constant 0 : index
    %get3A_15 = arith.constant 0 : index
    %get3A_16 = vector.load %arg5[%get3A_14, %get3A_15] : memref<32x1xf32, #tpu.memory_space<vmem>>, vector<32x1xf32>
    %reduce_sum3A = arith.constant dense<0.000000e+00> : vector<32xf32>
    %reduce_sum3A_17 = vector.multi_reduction <add>, %add3A_9, %reduce_sum3A [1] : vector<32x4096xf32> to vector<32xf32>
    %broadcast_in_dim3A = vector.shape_cast %reduce_sum3A_17 : vector<32xf32> to vector<32x1xf32>
    %add3A_18 = arith.addf %get3A_16, %broadcast_in_dim3A : vector<32x1xf32>
    %swap3A_19 = arith.constant 0 : index
    %swap3A_20 = arith.constant 0 : index
    %swap3A_21 = vector.load %arg5[%swap3A_19, %swap3A_20] : memref<32x1xf32, #tpu.memory_space<vmem>>, vector<32x1xf32>
    tpu.vector_store %arg5[%swap3A_19, %swap3A_20], %add3A_18 {strides = array<i32>} : memref<32x1xf32, #tpu.memory_space<vmem>>, vector<32x1xf32>,
    %get3A_22 = arith.constant 0 : index
    %get3A_23 = arith.constant 0 : index
    %get3A_24 = vector.load %arg6[%get3A_22, %get3A_23] : memref<32x1xf32, #tpu.memory_space<vmem>>, vector<32x1xf32>
    %mul3A = arith.mulf %add3A_9, %add3A_9 : vector<32x4096xf32>
    %reduce_sum3A_25 = arith.constant dense<0.000000e+00> : vector<32xf32>
    %reduce_sum3A_26 = vector.multi_reduction <add>, %mul3A, %reduce_sum3A_25 [1] : vector<32x4096xf32> to vector<32xf32>
    %broadcast_in_dim3A_27 = vector.shape_cast %reduce_sum3A_26 : vector<32xf32> to vector<32x1xf32>
    %add3A_28 = arith.addf %get3A_24, %broadcast_in_dim3A_27 : vector<32x1xf32>
    %swap3A_29 = arith.constant 0 : index
    %swap3A_30 = arith.constant 0 : index
    %swap3A_31 = vector.load %arg6[%swap3A_29, %swap3A_30] : memref<32x1xf32, #tpu.memory_space<vmem>>, vector<32x1xf32>
    tpu.vector_store %arg6[%swap3A_29, %swap3A_30], %add3A_28 {strides = array<i32>} : memref<32x1xf32, #tpu.memory_space<vmem>>, vector<32x1xf32>,
    return
  }
  func.func @transform_0(%arg0: i32) -> (i32, i32) {
    %c0_i32 = arith.constant 0 : i32
    %c0_i32_0 = arith.constant 0 : i32
    return %c0_i32, %arg0 : i32, i32
  }
  func.func @transform_1(%arg0: i32) -> (i32, i32) {
    %c0_i32 = arith.constant 0 : i32
    %c0_i32_0 = arith.constant 0 : i32
    %c0_i32_1 = arith.constant 0 : i32
    return %c0_i32, %c0_i32_0 : i32, i32
  }
  func.func @transform_2(%arg0: i32) -> (i32, i32) {
    %c0_i32 = arith.constant 0 : i32
    %c0_i32_0 = arith.constant 0 : i32
    %c0_i32_1 = arith.constant 0 : i32
    return %c0_i32, %c0_i32_0 : i32, i32
  }
  func.func @transform_3(%arg0: i32) -> (i32, i32) {
    %c0_i32 = arith.constant 0 : i32
    %c0_i32_0 = arith.constant 0 : i32
    return %c0_i32, %arg0 : i32, i32
  }
  func.func @transform_4(%arg0: i32) -> (i32, i32) {
    %c0_i32 = arith.constant 0 : i32
    %c0_i32_0 = arith.constant 0 : i32
    %c0_i32_1 = arith.constant 0 : i32
    return %c0_i32, %c0_i32_0 : i32, i32
  }
  func.func @transform_5(%arg0: i32) -> (i32, i32) {
    %c0_i32 = arith.constant 0 : i32
    %c0_i32_0 = arith.constant 0 : i32
    %c0_i32_1 = arith.constant 0 : i32
    return %c0_i32, %c0_i32_0 : i32, i32
  }
}

module attributes {stable_mosaic.version = 14 : i64} {
  func.func @_lmid_body(%arg0: i32, %arg1: memref<32x4096xf32, #tpu.memory_space<vmem>>, %arg2: memref<32x1xf32, #tpu.memory_space<vmem>>, %arg3: memref<32x1xf32, #tpu.memory_space<vmem>>, %arg4: memref<32x1xf32, #tpu.memory_space<vmem>>, %arg5: memref<32x1xf32, #tpu.memory_space<vmem>>, %arg6: memref<64x32xf32, #tpu.memory_space<vmem>>, %arg7: memref<64x1xf32, #tpu.memory_space<vmem>>, %arg8: memref<64x4096xf32, #tpu.memory_space<vmem>>, %arg9: memref<64x1xf32, #tpu.memory_space<vmem>>, %arg10: memref<64x1xf32, #tpu.memory_space<vmem>>) attributes {dimension_semantics = [#tpu.dimension_semantics<arbitrary>], iteration_bounds = array<i64: 32>, scalar_prefetch = 0 : i64, scratch_operands = 0 : i64, tpu.core_type = #tpu.core_type<tc>, window_params = [{transform_indices = @transform_0, window_bounds = array<i64: 32, 4096>}, {pipeline_mode = #tpu.pipeline_mode<synchronous>, transform_indices = @transform_1, window_bounds = array<i64: 32, 1>}, {pipeline_mode = #tpu.pipeline_mode<synchronous>, transform_indices = @transform_2, window_bounds = array<i64: 32, 1>}, {pipeline_mode = #tpu.pipeline_mode<synchronous>, transform_indices = @transform_3, window_bounds = array<i64: 32, 1>}, {pipeline_mode = #tpu.pipeline_mode<synchronous>, transform_indices = @transform_4, window_bounds = array<i64: 32, 1>}, {pipeline_mode = #tpu.pipeline_mode<synchronous>, transform_indices = @transform_5, window_bounds = array<i64: 64, 32>}, {pipeline_mode = #tpu.pipeline_mode<synchronous>, transform_indices = @transform_6, window_bounds = array<i64: 64, 1>}, {transform_indices = @transform_7, window_bounds = array<i64: 64, 4096>}, {pipeline_mode = #tpu.pipeline_mode<synchronous>, transform_indices = @transform_8, window_bounds = array<i64: 64, 1>}, {pipeline_mode = #tpu.pipeline_mode<synchronous>, transform_indices = @transform_9, window_bounds = array<i64: 64, 1>}]} {
    %get3A = arith.constant 0 : index
    %get3A_0 = arith.constant 0 : index
    %get3A_1 = vector.load %arg2[%get3A, %get3A_0] : memref<32x1xf32, #tpu.memory_space<vmem>>, vector<32x1xf32>
    %div3A = arith.constant 1.310720e+05 : f32
    %div3A_2 = vector.broadcast %div3A : f32 to vector<32x1xf32>
    %div3A_3 = arith.divf %get3A_1, %div3A_2 : vector<32x1xf32>
    %get3A_4 = arith.constant 0 : index
    %get3A_5 = arith.constant 0 : index
    %get3A_6 = vector.load %arg3[%get3A_4, %get3A_5] : memref<32x1xf32, #tpu.memory_space<vmem>>, vector<32x1xf32>
    %div3A_7 = arith.constant 1.310720e+05 : f32
    %div3A_8 = vector.broadcast %div3A_7 : f32 to vector<32x1xf32>
    %div3A_9 = arith.divf %get3A_6, %div3A_8 : vector<32x1xf32>
    %mul3A = arith.mulf %div3A_3, %div3A_3 : vector<32x1xf32>
    %sub3A = arith.subf %div3A_9, %mul3A : vector<32x1xf32>
    %get3A_10 = arith.constant 0 : index
    %get3A_11 = arith.constant 0 : index
    %get3A_12 = vector.load %arg4[%get3A_10, %get3A_11] : memref<32x1xf32, #tpu.memory_space<vmem>>, vector<32x1xf32>
    %add3A = arith.constant 9.99999974E-6 : f32
    %add3A_13 = vector.broadcast %add3A : f32 to vector<32x1xf32>
    %add3A_14 = arith.addf %sub3A, %add3A_13 : vector<32x1xf32>
    %sqrt3A = math.sqrt %add3A_14 : vector<32x1xf32>
    %div3A_15 = arith.divf %get3A_12, %sqrt3A : vector<32x1xf32>
    %get3A_16 = arith.constant 0 : index
    %get3A_17 = arith.constant 0 : index
    %get3A_18 = vector.load %arg5[%get3A_16, %get3A_17] : memref<32x1xf32, #tpu.memory_space<vmem>>, vector<32x1xf32>
    %mul3A_19 = arith.mulf %div3A_3, %div3A_15 : vector<32x1xf32>
    %sub3A_20 = arith.subf %get3A_18, %mul3A_19 : vector<32x1xf32>
    %get3A_21 = arith.constant 0 : index
    %get3A_22 = arith.constant 0 : index
    %get3A_23 = vector.load %arg1[%get3A_21, %get3A_22] : memref<32x4096xf32, #tpu.memory_space<vmem>>, vector<32x4096xf32>
    %mul3A_24 = vector.broadcast %div3A_15 : vector<32x1xf32> to vector<32x4096xf32>
    %mul3A_25 = arith.mulf %get3A_23, %mul3A_24 : vector<32x4096xf32>
    %add3A_26 = vector.broadcast %sub3A_20 : vector<32x1xf32> to vector<32x4096xf32>
    %add3A_27 = arith.addf %mul3A_25, %add3A_26 : vector<32x4096xf32>
    %max3A = arith.constant 0.000000e+00 : f32
    %max3A_28 = vector.broadcast %max3A : f32 to vector<32x4096xf32>
    %max3A_29 = arith.maximumf %add3A_27, %max3A_28 : vector<32x4096xf32>
    %get3A_30 = arith.constant 0 : index
    %get3A_31 = arith.constant 0 : index
    %get3A_32 = vector.load %arg6[%get3A_30, %get3A_31] : memref<64x32xf32, #tpu.memory_space<vmem>>, vector<64x32xf32>
    %dot_general3A = arith.constant dense<0.000000e+00> : vector<64x4096xf32>
    %dot_general3A_33 = tpu.matmul %get3A_32, %max3A_29, %dot_general3A {dimension_numbers = #tpu.dot_dimension_numbers<[1], [0], [0], [1], [0, 0, 1, 1], [], []>, transpose_lhs_hint = false} : vector<64x32xf32>, vector<32x4096xf32>, vector<64x4096xf32> -> vector<64x4096xf32>
    %get3A_34 = arith.constant 0 : index
    %get3A_35 = arith.constant 0 : index
    %get3A_36 = vector.load %arg7[%get3A_34, %get3A_35] : memref<64x1xf32, #tpu.memory_space<vmem>>, vector<64x1xf32>
    %add3A_37 = vector.broadcast %get3A_36 : vector<64x1xf32> to vector<64x4096xf32>
    %add3A_38 = arith.addf %dot_general3A_33, %add3A_37 : vector<64x4096xf32>
    %swap3A = arith.constant 0 : index
    %swap3A_39 = arith.constant 0 : index
    %swap3A_40 = vector.load %arg8[%swap3A, %swap3A_39] : memref<64x4096xf32, #tpu.memory_space<vmem>>, vector<64x4096xf32>
    tpu.vector_store %arg8[%swap3A, %swap3A_39], %add3A_38 {strides = array<i32>} : memref<64x4096xf32, #tpu.memory_space<vmem>>, vector<64x4096xf32>,
    %eq3A = arith.constant 0 : i32
    %eq3A_41 = arith.cmpi eq, %arg0, %eq3A : i32
    %convert_element_type3A = arith.extui %eq3A_41 : i1 to i32
    %cond3A = arith.constant 0 : i32
    %cond3A_42 = arith.cmpi ne, %convert_element_type3A, %cond3A : i32
    scf.if %cond3A_42 {
      %broadcast_in_dim3A_62 = arith.constant 0.000000e+00 : f32
      %broadcast_in_dim3A_63 = vector.broadcast %broadcast_in_dim3A_62 : f32 to vector<64x1xf32>
      %swap3A_64 = arith.constant 0 : index
      %swap3A_65 = arith.constant 0 : index
      %swap3A_66 = vector.load %arg9[%swap3A_64, %swap3A_65] : memref<64x1xf32, #tpu.memory_space<vmem>>, vector<64x1xf32>
      tpu.vector_store %arg9[%swap3A_64, %swap3A_65], %broadcast_in_dim3A_63 {strides = array<i32>} : memref<64x1xf32, #tpu.memory_space<vmem>>, vector<64x1xf32>,
      %broadcast_in_dim3A_67 = arith.constant 0.000000e+00 : f32
      %broadcast_in_dim3A_68 = vector.broadcast %broadcast_in_dim3A_67 : f32 to vector<64x1xf32>
      %swap3A_69 = arith.constant 0 : index
      %swap3A_70 = arith.constant 0 : index
      %swap3A_71 = vector.load %arg10[%swap3A_69, %swap3A_70] : memref<64x1xf32, #tpu.memory_space<vmem>>, vector<64x1xf32>
      tpu.vector_store %arg10[%swap3A_69, %swap3A_70], %broadcast_in_dim3A_68 {strides = array<i32>} : memref<64x1xf32, #tpu.memory_space<vmem>>, vector<64x1xf32>,
    } else {
    }
    %get3A_43 = arith.constant 0 : index
    %get3A_44 = arith.constant 0 : index
    %get3A_45 = vector.load %arg9[%get3A_43, %get3A_44] : memref<64x1xf32, #tpu.memory_space<vmem>>, vector<64x1xf32>
    %reduce_sum3A = arith.constant dense<0.000000e+00> : vector<64xf32>
    %reduce_sum3A_46 = vector.multi_reduction <add>, %add3A_38, %reduce_sum3A [1] : vector<64x4096xf32> to vector<64xf32>
    %broadcast_in_dim3A = vector.shape_cast %reduce_sum3A_46 : vector<64xf32> to vector<64x1xf32>
    %add3A_47 = arith.addf %get3A_45, %broadcast_in_dim3A : vector<64x1xf32>
    %swap3A_48 = arith.constant 0 : index
    %swap3A_49 = arith.constant 0 : index
    %swap3A_50 = vector.load %arg9[%swap3A_48, %swap3A_49] : memref<64x1xf32, #tpu.memory_space<vmem>>, vector<64x1xf32>
    tpu.vector_store %arg9[%swap3A_48, %swap3A_49], %add3A_47 {strides = array<i32>} : memref<64x1xf32, #tpu.memory_space<vmem>>, vector<64x1xf32>,
    %get3A_51 = arith.constant 0 : index
    %get3A_52 = arith.constant 0 : index
    %get3A_53 = vector.load %arg10[%get3A_51, %get3A_52] : memref<64x1xf32, #tpu.memory_space<vmem>>, vector<64x1xf32>
    %mul3A_54 = arith.mulf %add3A_38, %add3A_38 : vector<64x4096xf32>
    %reduce_sum3A_55 = arith.constant dense<0.000000e+00> : vector<64xf32>
    %reduce_sum3A_56 = vector.multi_reduction <add>, %mul3A_54, %reduce_sum3A_55 [1] : vector<64x4096xf32> to vector<64xf32>
    %broadcast_in_dim3A_57 = vector.shape_cast %reduce_sum3A_56 : vector<64xf32> to vector<64x1xf32>
    %add3A_58 = arith.addf %get3A_53, %broadcast_in_dim3A_57 : vector<64x1xf32>
    %swap3A_59 = arith.constant 0 : index
    %swap3A_60 = arith.constant 0 : index
    %swap3A_61 = vector.load %arg10[%swap3A_59, %swap3A_60] : memref<64x1xf32, #tpu.memory_space<vmem>>, vector<64x1xf32>
    tpu.vector_store %arg10[%swap3A_59, %swap3A_60], %add3A_58 {strides = array<i32>} : memref<64x1xf32, #tpu.memory_space<vmem>>, vector<64x1xf32>,
    return
  }
  func.func @transform_0(%arg0: i32) -> (i32, i32) {
    %c0_i32 = arith.constant 0 : i32
    %c0_i32_0 = arith.constant 0 : i32
    return %c0_i32, %arg0 : i32, i32
  }
  func.func @transform_1(%arg0: i32) -> (i32, i32) {
    %c0_i32 = arith.constant 0 : i32
    %c0_i32_0 = arith.constant 0 : i32
    %c0_i32_1 = arith.constant 0 : i32
    return %c0_i32, %c0_i32_0 : i32, i32
  }
  func.func @transform_2(%arg0: i32) -> (i32, i32) {
    %c0_i32 = arith.constant 0 : i32
    %c0_i32_0 = arith.constant 0 : i32
    %c0_i32_1 = arith.constant 0 : i32
    return %c0_i32, %c0_i32_0 : i32, i32
  }
  func.func @transform_3(%arg0: i32) -> (i32, i32) {
    %c0_i32 = arith.constant 0 : i32
    %c0_i32_0 = arith.constant 0 : i32
    %c0_i32_1 = arith.constant 0 : i32
    return %c0_i32, %c0_i32_0 : i32, i32
  }
  func.func @transform_4(%arg0: i32) -> (i32, i32) {
    %c0_i32 = arith.constant 0 : i32
    %c0_i32_0 = arith.constant 0 : i32
    %c0_i32_1 = arith.constant 0 : i32
    return %c0_i32, %c0_i32_0 : i32, i32
  }
  func.func @transform_5(%arg0: i32) -> (i32, i32) {
    %c0_i32 = arith.constant 0 : i32
    %c0_i32_0 = arith.constant 0 : i32
    %c0_i32_1 = arith.constant 0 : i32
    return %c0_i32, %c0_i32_0 : i32, i32
  }
  func.func @transform_6(%arg0: i32) -> (i32, i32) {
    %c0_i32 = arith.constant 0 : i32
    %c0_i32_0 = arith.constant 0 : i32
    %c0_i32_1 = arith.constant 0 : i32
    return %c0_i32, %c0_i32_0 : i32, i32
  }
  func.func @transform_7(%arg0: i32) -> (i32, i32) {
    %c0_i32 = arith.constant 0 : i32
    %c0_i32_0 = arith.constant 0 : i32
    return %c0_i32, %arg0 : i32, i32
  }
  func.func @transform_8(%arg0: i32) -> (i32, i32) {
    %c0_i32 = arith.constant 0 : i32
    %c0_i32_0 = arith.constant 0 : i32
    %c0_i32_1 = arith.constant 0 : i32
    return %c0_i32, %c0_i32_0 : i32, i32
  }
  func.func @transform_9(%arg0: i32) -> (i32, i32) {
    %c0_i32 = arith.constant 0 : i32
    %c0_i32_0 = arith.constant 0 : i32
    %c0_i32_1 = arith.constant 0 : i32
    return %c0_i32, %c0_i32_0 : i32, i32
  }
}

module attributes {stable_mosaic.version = 14 : i64} {
  func.func @_l4_body(%arg0: i32, %arg1: memref<64x128x32xf32, #tpu.memory_space<vmem>>, %arg2: memref<64x1xf32, #tpu.memory_space<vmem>>, %arg3: memref<64x1xf32, #tpu.memory_space<vmem>>, %arg4: memref<64x1xf32, #tpu.memory_space<vmem>>, %arg5: memref<64x1xf32, #tpu.memory_space<vmem>>, %arg6: memref<64x128xf32, #tpu.memory_space<vmem>>) attributes {dimension_semantics = [#tpu.dimension_semantics<arbitrary>], iteration_bounds = array<i64: 32>, scalar_prefetch = 0 : i64, scratch_operands = 0 : i64, tpu.core_type = #tpu.core_type<tc>, window_params = [{transform_indices = @transform_0, window_bounds = array<i64: 64, 128, 32>}, {pipeline_mode = #tpu.pipeline_mode<synchronous>, transform_indices = @transform_1, window_bounds = array<i64: 64, 1>}, {pipeline_mode = #tpu.pipeline_mode<synchronous>, transform_indices = @transform_2, window_bounds = array<i64: 64, 1>}, {pipeline_mode = #tpu.pipeline_mode<synchronous>, transform_indices = @transform_3, window_bounds = array<i64: 64, 1>}, {pipeline_mode = #tpu.pipeline_mode<synchronous>, transform_indices = @transform_4, window_bounds = array<i64: 64, 1>}, {transform_indices = @transform_5, window_bounds = array<i64: 64, 128>}]} {
    %get3A = arith.constant 0 : index
    %get3A_0 = arith.constant 0 : index
    %get3A_1 = vector.load %arg2[%get3A, %get3A_0] : memref<64x1xf32, #tpu.memory_space<vmem>>, vector<64x1xf32>
    %div3A = arith.constant 1.310720e+05 : f32
    %div3A_2 = vector.broadcast %div3A : f32 to vector<64x1xf32>
    %div3A_3 = arith.divf %get3A_1, %div3A_2 : vector<64x1xf32>
    %get3A_4 = arith.constant 0 : index
    %get3A_5 = arith.constant 0 : index
    %get3A_6 = vector.load %arg3[%get3A_4, %get3A_5] : memref<64x1xf32, #tpu.memory_space<vmem>>, vector<64x1xf32>
    %div3A_7 = arith.constant 1.310720e+05 : f32
    %div3A_8 = vector.broadcast %div3A_7 : f32 to vector<64x1xf32>
    %div3A_9 = arith.divf %get3A_6, %div3A_8 : vector<64x1xf32>
    %mul3A = arith.mulf %div3A_3, %div3A_3 : vector<64x1xf32>
    %sub3A = arith.subf %div3A_9, %mul3A : vector<64x1xf32>
    %get3A_10 = arith.constant 0 : index
    %get3A_11 = arith.constant 0 : index
    %get3A_12 = vector.load %arg4[%get3A_10, %get3A_11] : memref<64x1xf32, #tpu.memory_space<vmem>>, vector<64x1xf32>
    %add3A = arith.constant 9.99999974E-6 : f32
    %add3A_13 = vector.broadcast %add3A : f32 to vector<64x1xf32>
    %add3A_14 = arith.addf %sub3A, %add3A_13 : vector<64x1xf32>
    %sqrt3A = math.sqrt %add3A_14 : vector<64x1xf32>
    %div3A_15 = arith.divf %get3A_12, %sqrt3A : vector<64x1xf32>
    %broadcast_in_dim3A = vector.shape_cast %div3A_15 : vector<64x1xf32> to vector<64x1x1xf32>
    %get3A_16 = arith.constant 0 : index
    %get3A_17 = arith.constant 0 : index
    %get3A_18 = vector.load %arg5[%get3A_16, %get3A_17] : memref<64x1xf32, #tpu.memory_space<vmem>>, vector<64x1xf32>
    %get3A_19 = arith.constant 0 : index
    %get3A_20 = arith.constant 0 : index
    %get3A_21 = vector.load %arg2[%get3A_19, %get3A_20] : memref<64x1xf32, #tpu.memory_space<vmem>>, vector<64x1xf32>
    %div3A_22 = arith.constant 1.310720e+05 : f32
    %div3A_23 = vector.broadcast %div3A_22 : f32 to vector<64x1xf32>
    %div3A_24 = arith.divf %get3A_21, %div3A_23 : vector<64x1xf32>
    %squeeze3A = vector.shape_cast %broadcast_in_dim3A : vector<64x1x1xf32> to vector<64x1xf32>
    %mul3A_25 = arith.mulf %div3A_24, %squeeze3A : vector<64x1xf32>
    %sub3A_26 = arith.subf %get3A_18, %mul3A_25 : vector<64x1xf32>
    %broadcast_in_dim3A_27 = vector.shape_cast %sub3A_26 : vector<64x1xf32> to vector<64x1x1xf32>
    %get3A_28 = arith.constant 0 : index
    %get3A_29 = arith.constant 0 : index
    %get3A_30 = arith.constant 0 : index
    %get3A_31 = vector.load %arg1[%get3A_28, %get3A_29, %get3A_30] : memref<64x128x32xf32, #tpu.memory_space<vmem>>, vector<64x128x32xf32>
    %mul3A_32 = vector.broadcast %broadcast_in_dim3A : vector<64x1x1xf32> to vector<64x128x32xf32>
    %mul3A_33 = arith.mulf %get3A_31, %mul3A_32 : vector<64x128x32xf32>
    %add3A_34 = vector.broadcast %broadcast_in_dim3A_27 : vector<64x1x1xf32> to vector<64x128x32xf32>
    %add3A_35 = arith.addf %mul3A_33, %add3A_34 : vector<64x128x32xf32>
    %max3A = arith.constant 0.000000e+00 : f32
    %max3A_36 = vector.broadcast %max3A : f32 to vector<64x128x32xf32>
    %max3A_37 = arith.maximumf %add3A_35, %max3A_36 : vector<64x128x32xf32>
    %reduce_max3A = arith.constant dense<0xFF800000> : vector<64x128xf32>
    %reduce_max3A_38 = vector.multi_reduction <maximumf>, %max3A_37, %reduce_max3A [2] : vector<64x128x32xf32> to vector<64x128xf32>
    %swap3A = arith.constant 0 : index
    %swap3A_39 = arith.constant 0 : index
    %swap3A_40 = vector.load %arg6[%swap3A, %swap3A_39] : memref<64x128xf32, #tpu.memory_space<vmem>>, vector<64x128xf32>
    tpu.vector_store %arg6[%swap3A, %swap3A_39], %reduce_max3A_38 {strides = array<i32>} : memref<64x128xf32, #tpu.memory_space<vmem>>, vector<64x128xf32>,
    return
  }
  func.func @transform_0(%arg0: i32) -> (i32, i32, i32) {
    %c0_i32 = arith.constant 0 : i32
    %c0_i32_0 = arith.constant 0 : i32
    %c0_i32_1 = arith.constant 0 : i32
    return %c0_i32, %arg0, %c0_i32_0 : i32, i32, i32
  }
  func.func @transform_1(%arg0: i32) -> (i32, i32) {
    %c0_i32 = arith.constant 0 : i32
    %c0_i32_0 = arith.constant 0 : i32
    %c0_i32_1 = arith.constant 0 : i32
    return %c0_i32, %c0_i32_0 : i32, i32
  }
  func.func @transform_2(%arg0: i32) -> (i32, i32) {
    %c0_i32 = arith.constant 0 : i32
    %c0_i32_0 = arith.constant 0 : i32
    %c0_i32_1 = arith.constant 0 : i32
    return %c0_i32, %c0_i32_0 : i32, i32
  }
  func.func @transform_3(%arg0: i32) -> (i32, i32) {
    %c0_i32 = arith.constant 0 : i32
    %c0_i32_0 = arith.constant 0 : i32
    %c0_i32_1 = arith.constant 0 : i32
    return %c0_i32, %c0_i32_0 : i32, i32
  }
  func.func @transform_4(%arg0: i32) -> (i32, i32) {
    %c0_i32 = arith.constant 0 : i32
    %c0_i32_0 = arith.constant 0 : i32
    %c0_i32_1 = arith.constant 0 : i32
    return %c0_i32, %c0_i32_0 : i32, i32
  }
  func.func @transform_5(%arg0: i32) -> (i32, i32) {
    %c0_i32 = arith.constant 0 : i32
    %c0_i32_0 = arith.constant 0 : i32
    return %c0_i32, %arg0 : i32, i32
  }
}

</mosaic_0001>

<sc_bundles>
// kernel: kernel.8.cloned.1.call-start
scs
__scs_entry_jumppad:
0x0: {  	(pc) =	sbr.rel $0x88, $3  }
0x1: {  	(tag) =	ssettag $0x0;
	lr =	simm.s32 $0x1  }
0x2: {  	[smem:$0x3F93] =	sst lr;
	_ =	strace $0xD0000000  }
0x3: {  	_ = 	snop  }
0x4: {  	_ = 	snop  }
0x5: {  	_ = 	snop  }
0x6: {  	_ = 	snop  }
0x7: {  	_ = 	snop  }
__scs_overlays_trampoline_lowered:
0x8: {  	[smem:$0x3FA2] =	sst s0  }
0x9: {  	[smem:$0x3FA3] =	sst s1  }
0xa: {  	[smem:$0x3FA4] =	sst s2  }
0xb: {  	[smem:$0x3FA5] =	sst s3  }
0xc: {  	[smem:$0x3FA6] =	sst s4  }
0xd: {  	[smem:$0x3FA7] =	sst s5  }
0xe: {  	[smem:$0x3FA8] =	sst s6  }
0xf: {  	[smem:$0x3FA9] =	sst s7  }
0x10: {  	[smem:$0x3FAA] =	sst s8  }
0x11: {  	[smem:$0x3FAB] =	sst s9;
	s0 =	simm.s32 @!p0 $0x0  }
0x12: {  	s1 =	sld [smem:$0x3F91];
	s0 =	simm.s32 @p0 $0x1  }
0x13: {  	[smem:$0x3FAC] =	sst s0;
	s0 =	simm.s32 @!p1 $0x0  }
0x14: {  	s2 =	sld [smem:$0x3F90];
	s0 =	simm.s32 @p1 $0x1  }
0x15: {  	[smem:$0x3FAD] =	sst s0;
	s0 =	simm.s32 @!p2 $0x0  }
0x16: {  	s3 =	sld [smem:$0x3FDB];
	s0 =	simm.s32 @p2 $0x1  }
0x17: {  	s4 =	simm.s32 $0x1BF5;
	[smem:$0x3FAF] =	sst s0  }
0x18: {  	s0 =	sld [smem:$0x3F92];
	_ =	swait.ge [sflag:s4], $0x0  }
0x19: {  	s7 =	sld [smem:$0x3F93]  }
0x1a: {  	s8 =	sadd.s32 $0xFFFFE003, lr  }
0x1b: {  	s9 =	sadd.s32 $0xFFFFFEF7, lr;
	s5 =	simm.s32 $0xFFFFFFFF;
	p2 =	slt.u32 s8, $0xFFFFF086  }
0x1c: {  	p1 =	slt.u32 s9, $0xF7A;
	s5 =	simm.s32 @!p2 $0x0  }
0x1d: {  	s5 =	simm.s32 @p1 $0x1;
	p0 =	seq.s32 s7, s2  }
0x1e: {  	s7 =	smul.u32 @!p0 $0xF7A, s2;
	p2 =	seq.s32 @!p0 s5, $0x0  }
0x1f: {  	s9 =	smul.u32 $0xF7A, s1;
	s8 =	simm.s32 @!p0 $0x1BF5;
	p2 =	por !p2, p0  }
0x20: {  	[sflag:s8] =	ssyncset.s32 @!p0 $0xFFFFF086;
	s6 =	sadd.s32 @!p0 s3, s7;
	s7 =	simm.s32 @!p0 $0x108  }
0x21: {  	s3 =	sadd.s32 s3, s9;
	s6 =	sadd.s32 @!p0 $0x88, s6;
	s7 =	simm.s32 @p2 $0x1082  }
0x22: {  	[simem:s7], [sflag:s8] =	dma.local @!p0 [hbm:s6], $0xF7A  }
0x23: {  	s9 =	sor.u32 $0xD0000000, s2;
	s6 =	simm.s32 $0x108;
	_ =	swait.ge @!p0 [sflag:s8], $0x0  }
0x24: {  	s3 =	sadd.s32 $0x88, s3;
	s6 =	simm.s32 @!p1 $0x1082;
	[sflag:s4] =	ssyncset.s32 $0xFFFFF086  }
0x25: {  	[simem:s6], [sflag:s4] =	dma.local [hbm:s3], $0xF7A  }
0x26: {  	[smem:$0x3F93] =	sst s1;
	(tag) =	ssettag s2;
	_ =	strace s9  }
0x27: {  	s1 =	sld [smem:$0x3FA3]  }
0x28: {  	s2 =	sld [smem:$0x3FA4]  }
0x29: {  	s4 =	sld [smem:$0x3FA6]  }
0x2a: {  	p0 =	seq.s32 s5, $0x0;
	s5 =	sld [smem:$0x3FA7]  }
0x2b: {  	s6 =	sld [smem:$0x3FA8]  }
0x2c: {  	s7 =	sld [smem:$0x3FA9]  }
0x2d: {  	s3 =	simm.s32 $0x108;
	s8 =	sld [smem:$0x3FAA]  }
0x2e: {  	s3 =	simm.s32 @!p0 $0x1082;
	s9 =	sld [smem:$0x3FAB]  }
0x2f: {  	lr =	sadd.s32 s0, s3;
	s0 =	sld [smem:$0x3FA2]  }
0x30: {  	s3 =	sld [smem:$0x3FA5]  }
0x31: {  	[smem:$0x3FAE] =	sst s10  }
0x32: {  	s10 =	sld [smem:$0x3FAC];
	_ =	sdelay $0x3  }
0x33: {  	p0 =	seq.s32 s10, $0x1;
	s10 =	sld [smem:$0x3FAE];
	_ =	sdelay $0x3  }
0x34: {  	[smem:$0x3FAE] =	sst s10  }
0x35: {  	s10 =	sld [smem:$0x3FAD];
	_ =	sdelay $0x3  }
0x36: {  	p1 =	seq.s32 s10, $0x1;
	s10 =	sld [smem:$0x3FAE];
	_ =	sdelay $0x3  }
0x37: {  	[smem:$0x3FAE] =	sst s10  }
0x38: {  	s10 =	sld [smem:$0x3FAF]  }
0x39: {  	_ = 	snop;
	(pc) =	sbr.ind lr, $3  }
0x3a: {  	_ = 	snop  }
0x3b: {  	_ = 	snop  }
0x3c: {  	p2 =	seq.s32 s10, $0x1;
	s10 =	sld [smem:$0x3FAE]  }
0x3d: {  	_ =	shalt  }
0x3e: {  	_ =	shalt  }
0x3f: {  	_ =	shalt  }
0x40: {  	_ =	shalt  }
0x41: {  	_ =	shalt  }
0x42: {  	_ =	shalt  }
0x43: {  	_ =	shalt  }
0x44: {  	_ =	shalt  }
0x45: {  	_ =	shalt  }
0x46: {  	_ =	shalt  }
0x47: {  	_ =	shalt  }
0x48: {  	_ =	shalt  }
0x49: {  	_ =	shalt  }
0x4a: {  	_ =	shalt  }
0x4b: {  	_ =	shalt  }
0x4c: {  	_ =	shalt  }
0x4d: {  	_ =	shalt  }
0x4e: {  	_ =	shalt  }
0x4f: {  	_ =	shalt  }
0x50: {  	_ =	shalt  }
0x51: {  	_ =	shalt  }
0x52: {  	_ =	shalt  }
0x53: {  	_ =	shalt  }
0x54: {  	_ =	shalt  }
0x55: {  	_ =	shalt  }
0x56: {  	_ =	shalt  }
0x57: {  	_ =	shalt  }
0x58: {  	_ =	shalt  }
0x59: {  	_ =	shalt  }
0x5a: {  	_ =	shalt  }
0x5b: {  	_ =	shalt  }
0x5c: {  	_ =	shalt  }
0x5d: {  	_ =	shalt  }
0x5e: {  	_ =	shalt  }
0x5f: {  	_ =	shalt  }
0x60: {  	_ =	shalt  }
0x61: {  	_ =	shalt  }
0x62: {  	_ =	shalt  }
0x63: {  	_ =	shalt  }
0x64: {  	_ =	shalt  }
0x65: {  	_ =	shalt  }
0x66: {  	_ =	shalt  }
0x67: {  	_ =	shalt  }
0x68: {  	_ =	shalt  }
0x69: {  	_ =	shalt  }
0x6a: {  	_ =	shalt  }
0x6b: {  	_ =	shalt  }
0x6c: {  	_ =	shalt  }
0x6d: {  	_ =	shalt  }
0x6e: {  	_ =	shalt  }
0x6f: {  	_ =	shalt  }
0x70: {  	_ =	shalt  }
0x71: {  	_ =	shalt  }
0x72: {  	_ =	shalt  }
0x73: {  	_ =	shalt  }
0x74: {  	_ =	shalt  }
0x75: {  	_ =	shalt  }
0x76: {  	_ =	shalt  }
0x77: {  	_ =	shalt  }
0x78: {  	_ =	shalt  }
0x79: {  	_ =	shalt  }
0x7a: {  	_ =	shalt  }
0x7b: {  	_ =	shalt  }
0x7c: {  	_ =	shalt  }
0x7d: {  	_ =	shalt  }
0x7e: {  	_ =	shalt  }
0x7f: {  	_ =	shalt  }
0x80: {  	_ =	shalt  }
0x81: {  	_ =	shalt  }
0x82: {  	_ =	shalt  }
0x83: {  	_ =	shalt  }
0x84: {  	_ =	shalt  }
0x85: {  	_ =	shalt  }
0x86: {  	_ =	shalt  }
0x87: {  	_ =	shalt  }
.Lfunc_end0:
.L_simem_size_0:
called_computation_lowered:
.L_overlay_start_0:
0x88: {  	s2 =	sld [smem:$0x3FD9]  }
0x89: {  	s3 =	sld [smem:$0x3FFE];
	_ =	sdelay $0x1  }
0x8a: {  	s1 =	srdreg.scid  }
0x8b: {  	s0 =	sand.u32 $0x1, s1  }
0x8c: {  	s14 =	sshll.u32 s0, $0xA;
	s2 =	sadd.s32 s3, s2  }
0x8d: {  	s2 =	sadd.s32 s2, s14  }
0x8e: {  	[smem:$0x3FBA] =	sst s2  }
0x8f: {  	_ = 	snop  }
0x90: {  	s2 =	sld [smem:$0x3FD0];
	_ =	sdelay $0x2  }
0x91: {  	s15 =	simm.s32 $0xA;
	s4 =	simm.s32 $0x10  }
0x92: {  	[smem:s4], [sflag:s15] =	dma.local [hbm:s2], $0x1  }
0x93: {  	_ =	swait.eq [sflag:s15], $0x1  }
0x94: {  	[sflag:s15] =	ssyncset.done $0x0  }
0x95: {  	[sflag:s15] =	ssyncadd.s32 $0xFFFFFFFF  }
0x96: {  	s16 =	sld [smem:$0x11];
	(tm) =	ssettm $0x1  }
0x97: {  	s17 =	sld [smem:$0x3FFB];
	_ =	sdelay $0x3  }
0x98: {  	_ =	strace s17  }
0x99: {  	s3 =	sld [smem:$0x3FFC];
	_ =	sdelay $0x3  }
0x9a: {  	_ =	strace s3  }
0x9b: {  	s3 =	sld [smem:$0x3FFD];
	_ =	sdelay $0x3  }
0x9c: {  	_ =	strace s3  }
0x9d: {  	_ =	strace $0x8FFFFFFF  }
0x9e: {  	s18 =	sld [smem:$0x3FDB];
	_ =	sdelay $0x1  }
0x9f: {  	s19 =	simm.s32 $_scs_section_size  }
0xa0: {  	s5 =	simm.s32 $_size__tile_overlayer_lowered;
	s6 =	simm.s32 $_tile_overlayer_lowered  }
0xa1: {  	s22 =	simm.s32 $0x1BFF;
	s21 =	sshll.u32 s6, $0x1;
	s3 =	sadd.s32 s19, s18  }
0xa2: {  	s7 =	simm.s32 $0x0;
	s20 =	sshll.u32 s5, $0x1;
	s5 =	sadd.s32 s21, s3  }
0xa3: {  	[timem:s7], [sflag:s22] =	dma.local [hbm:s5], s20  }
0xa4: {  	_ =	swait.ge [sflag:s22], s20  }
0xa5: {  	s4 =	ssub.s32 $0x0, s20;
	[sflag:s22] =	ssyncset.done $0x0  }
0xa6: {  	[sflag:s22] =	ssyncadd.s32 s4;
	_ =	sdelay $0x1  }
0xa7: {  	s23 =	simm.s32 $0x1B8B  }
0xa8: {  	_ =	swait.ge [sflag:s23], $0x1  }
0xa9: {  	[sflag:s23] =	ssyncset.done $0x0  }
0xaa: {  	s25 =	simm.s32 $0x1B8E;
	s24 =	sld [smem:$0x3FFE];
	[sflag:s23] =	ssyncadd.s32 $0xFFFFFFFF  }
0xab: {  	s26 =	simm.s32 $execute0_lowered;
	[smem:$0x3FD2] =	sst s25  }
0xac: {  	s5 =	sshll.u32 s26, $0x1;
	_ =	strace $0x80000046;
	[dreg:$0x1] =	wrdreg $0xFFFFFFFF  }
0xad: {  	s28 =	simm.s32 $_size_execute0_lowered;
	s3 =	sadd.s32 s3, s5;
	[dreg:$0x0] =	wrdreg $0x0  }
0xae: {  	s5 =	sshll.u32 s28, $0x1;
	[dreg:$0x2] =	wrdreg s3  }
0xaf: {  	[dreg:$0x3] =	wrdreg s5  }
0xb0: {  	[dreg:$0x4] =	wrdreg $0xC0  }
0xb1: {  	_ =	task [dreg:s7], $0x5FFFF  }
0xb2: {  	[dreg:$0x1] =	wrdreg $0xFFFFFFFF  }
0xb3: {  	[dreg:$0x0] =	wrdreg $0x60  }
0xb4: {  	[dreg:$0x2] =	wrdreg s16  }
0xb5: {  	[dreg:$0x3] =	wrdreg s24  }
0xb6: {  	[dreg:$0x4] =	wrdreg $0x9  }
0xb7: {  	_ =	task.clear_ibuf [dreg:s7], $0x5FFFF;
	_ =	strace $0x90000046  }
0xb8: {  	s29 =	simm.s32 $0x9;
	_ =	strace $0x80000048  }
0xb9: {  	_ =	swait.ge [sflag:s29], $0x1  }
0xba: {  	[sflag:s29] =	ssyncadd.s32 $0xFFFFFFFF  }
0xbb: {  	_ =	strace $0x90000048  }
0xbc: {  	_ =	sfence  }
0xbd: {  	s30 =	sld [smem:$0x0];
	_ =	sdelay $0x2  }
0xbe: {  	s31 =	sshll.u32 s1, $0xD;
	s1 =	sshrl.u32 s1, $0x2  }
0xbf: {  	s3 =	sand.u32 $0x4000, s31;
	s1 =	sadd.s32 s1, s30  }
0xc0: {  	s0 =	sor.u32 s3, s0;
	s1 =	sshll.u32 s1, $0x11  }
0xc1: {  	s0 =	sor.u32 s1, s0  }
0xc2: {  	s0 =	sadd.s32 $0x8F2B, s0  }
0xc3: {  	[sflag:s0] =	ssyncadd.remote.s32 $0x1  }
0xc4: {  	_ =	sfence.sel $0xFFFF  }
0xc5: {  	[dreg:$0x0] =	wrdreg $0xFFFFFFFF;
	(pc) =	sbr.abs _section_cstart, $3  }
0xc6: {  	[dreg:$0x1] =	wrdreg $0xFFFFFFFF  }
0xc7: {  	_ =	task.clear_ibuf [dreg:s7], $0x2FFFF;
	_ =	strace $0x9FFFFFFF  }
0xc8: {  	(tm) =	ssettm $0x7FFFFFFF  }
0xc9: {  	_ =	shalt  }
tec
execute0_lowered:
.L_overlay_start_1:
0x0: {  	(tag) =	ssettag $0x1  }
0x1: {  	s0 =	rddreg [dreg:$0x0]  }
0x2: {  	s1 =	rddreg [dreg:$0x1]  }
0x3: {  	s2 =	simm.s32 $0x0;
	s6 =	stileid.u32;
	s4 =	srdreg.scid  }
0x4: {  	s30 =	simm.s32 $0x0;
	[smem:$0x7FF] =	sst s2;
	s3 =	sadd.s32 $0x4400, s1  }
0x5: {  	s5 =	sshrl.u32 s6, $0x1;
	s4 =	sand.u32 $0x1, s4;
	s6 =	sshll.u32 s6, $0x1  }
0x6: {  	s7 =	sadd.s32 $0x2E00, s1;
	_ =	strace $0x80000047;
	s8 =	sshll.u32 s5, $0x9  }
0x7: {  	s6 =	sor.u32 s4, s6;
	s4 =	ssub.s32 $0x2, s4;
	s5 =	smul.u32 $0x600, s5  }
0x8: {  	s9 =	sshll.u32 s6, $0x9;
	s8 =	sadd.s32 s8, s1;
	s20 =	sshrl.u32 s4, $0x1  }
0x9: {  	s25 =	sshll.u32 s6, $0x7;
	s1 =	sadd.s32 s9, s1;
	s4 =	ssub.s32 s4, s20  }
0xa: {  	s21 =	sadd.s32 $0x200, s5;
	s10 =	sadd.s32 $0x400, s5;
	s11 =	sadd.s32 s0, s5  }
0xb: {  	s23 =	sadd.s32 s3, s5;
	s26 =	sadd.s32 $0x3400, s8;
	s20 =	simm.s32 $0x1  }
0xc: {  	[dreg:$0x3] =	wrdreg s11;
	s22 =	sadd.s32 s0, s21;
	s0 =	sadd.s32 s0, s10  }
0xd: {  	[dreg:$0x6] =	wrdreg s23;
	s24 =	sadd.s32 s3, s21;
	s3 =	sadd.s32 s3, s10  }
0xe: {  	[dreg:$0x9] =	wrdreg s26;
	s13 =	sadd.s32 $0x7400, s1;
	s14 =	sadd.s32 $0xB400, s1  }
0xf: {  	s15 =	sadd.s32 $0xF400, s1;
	s16 =	sadd.s32 $0x13400, s1;
	[dreg:$0x4] =	wrdreg s22  }
0x10: {  	s17 =	sadd.s32 $0x17400, s1;
	s18 =	sadd.s32 $0x1B400, s1;
	[dreg:$0x5] =	wrdreg s0  }
0x11: {  	s19 =	smax.u32 s4, $0x1;
	s23 =	simm.s32 $0x3000;
	[dreg:$0x7] =	wrdreg s24  }
0x12: {  	[dreg:$0x8] =	wrdreg s3;
	s0 =	sand.u32 $0x180, s25;
	s22 =	simm.s32 $0x2000  }
.Ltmp0:
0x13: {  	s24 =	simm.s32 $0x4000;
	s28 =	sor.u32 s5, s0;
	(pc) =	sbr.rel .LBB2_1-.Ltmp0, $4  }
0x14: {  	s25 =	simm.s32 $0x5000;
	s29 =	sor.u32 s21, s0;
	s3 =	sshrl.u32 s28, $0x3  }
0x15: {  	s0 =	sor.u32 s10, s0;
	s5 =	sshrl.u32 s29, $0x3;
	s3 =	sadd.s32 s7, s3  }
0x16: {  	v0 =	vlaneseq.u32;
	s0 =	sshrl.u32 s0, $0x3;
	s31 =	sadd.s32 s7, s5;
	[dreg:$0xa] =	wrdreg s3  }
0x17: {  	v1 =	vor.u32 $0x10, v0;
	s21 =	simm.s32 $0x1000;
	s12 =	sadd.s32 s7, s0;
	[dreg:$0xb] =	wrdreg s31  }
.LBB2_13:
0x18: {  	s0 =	simm.s32 $0xA480  }
0x19: {  	[hbm4b:s13+s2] =	stream.linear.scatter [tilespmem:s0], [sflag:$0x1], $0x1000, $0x38;
	[tilespmem:$0x10480] =	vst v63  }
0x1a: {  	_ =	swait.ge [sflag:s20], $0x1000  }
0x1b: {  	[sflag:s20] =	ssyncset.done $0x0  }
0x1c: {  	s11 =	simm.s32 $0xB480;
	[sflag:s20] =	ssyncadd.s32 $0xFFFFF000  }
0x1d: {  	[hbm4b:s14+s2] =	stream.linear.scatter [tilespmem:s11], [sflag:$0x1], $0x1000, $0x38;
	[tilespmem:$0x10480] =	vst v63  }
0x1e: {  	_ =	swait.ge [sflag:s20], $0x1000  }
0x1f: {  	[sflag:s20] =	ssyncset.done $0x0  }
0x20: {  	s26 =	simm.s32 $0xC480;
	[sflag:s20] =	ssyncadd.s32 $0xFFFFF000  }
0x21: {  	[hbm4b:s15+s2] =	stream.linear.scatter [tilespmem:s26], [sflag:$0x1], $0x1000, $0x38;
	[tilespmem:$0x10480] =	vst v63  }
0x22: {  	_ =	swait.ge [sflag:s20], $0x1000  }
0x23: {  	[sflag:s20] =	ssyncset.done $0x0  }
0x24: {  	s28 =	simm.s32 $0xD480;
	[sflag:s20] =	ssyncadd.s32 $0xFFFFF000  }
0x25: {  	[hbm4b:s16+s2] =	stream.linear.scatter [tilespmem:s28], [sflag:$0x1], $0x1000, $0x38;
	[tilespmem:$0x10480] =	vst v63  }
0x26: {  	_ =	swait.ge [sflag:s20], $0x1000  }
0x27: {  	[sflag:s20] =	ssyncset.done $0x0  }
0x28: {  	s29 =	simm.s32 $0xE480;
	[sflag:s20] =	ssyncadd.s32 $0xFFFFF000  }
0x29: {  	[hbm4b:s17+s2] =	stream.linear.scatter [tilespmem:s29], [sflag:$0x1], $0x1000, $0x38;
	[tilespmem:$0x10480] =	vst v63  }
0x2a: {  	s30 =	sadd.s32 $0x1, s30;
	_ =	swait.ge [sflag:s20], $0x1000  }
0x2b: {  	p0 =	sne.s32 s30, s19;
	[sflag:s20] =	ssyncset.done $0x0  }
.Ltmp1:
0x2c: {  	s31 =	simm.s32 $0xF480;
	[sflag:s20] =	ssyncadd.s32 $0xFFFFF000;
	(pc) =	sbr.rel @!p0 .LBB2_14-.Ltmp1, $4  }
0x2d: {  	[hbm4b:s18+s2] =	stream.linear.scatter [tilespmem:s31], [sflag:$0x1], $0x1000, $0x38;
	[tilespmem:$0x10480] =	vst v63  }
0x2e: {  	_ =	swait.ge [sflag:s20], $0x1000  }
0x2f: {  	[sflag:s20] =	ssyncset.done $0x0  }
0x30: {  	[sflag:s20] =	ssyncadd.s32 $0xFFFFF000  }
.LBB2_1:
0x31: {  	s0 =	rddreg [dreg:$0x3]  }
0x32: {  	[tilespmem:s2], [sflag:$0x1] =	stream.linear.gather [hbm4b:s0+s2], $0x1000, $0x38;
	[tilespmem:$0x10480] =	vst v63  }
0x33: {  	_ =	swait.ge [sflag:s20], $0x1000  }
0x34: {  	[sflag:s20] =	ssyncset.done $0x0  }
0x35: {  	s5 =	rddreg [dreg:$0x4];
	[sflag:s20] =	ssyncadd.s32 $0xFFFFF000  }
0x36: {  	[tilespmem:s21], [sflag:$0x1] =	stream.linear.gather [hbm4b:s5+s2], $0x1000, $0x38;
	[tilespmem:$0x10480] =	vst v63  }
0x37: {  	_ =	swait.ge [sflag:s20], $0x1000  }
0x38: {  	[sflag:s20] =	ssyncset.done $0x0  }
0x39: {  	s6 =	rddreg [dreg:$0x5];
	[sflag:s20] =	ssyncadd.s32 $0xFFFFF000  }
0x3a: {  	[tilespmem:s22], [sflag:$0x1] =	stream.linear.gather [hbm4b:s6+s2], $0x1000, $0x38;
	[tilespmem:$0x10480] =	vst v63  }
0x3b: {  	_ =	swait.ge [sflag:s20], $0x1000  }
0x3c: {  	[sflag:s20] =	ssyncset.done $0x0  }
0x3d: {  	s7 =	rddreg [dreg:$0x6];
	[sflag:s20] =	ssyncadd.s32 $0xFFFFF000  }
0x3e: {  	[tilespmem:s23], [sflag:$0x1] =	stream.linear.gather [hbm4b:s7+s2], $0x1000, $0x38;
	[tilespmem:$0x10480] =	vst v63  }
0x3f: {  	_ =	swait.ge [sflag:s20], $0x1000  }
0x40: {  	[sflag:s20] =	ssyncset.done $0x0  }
0x41: {  	s8 =	rddreg [dreg:$0x7];
	[sflag:s20] =	ssyncadd.s32 $0xFFFFF000  }
0x42: {  	[tilespmem:s24], [sflag:$0x1] =	stream.linear.gather [hbm4b:s8+s2], $0x1000, $0x38;
	[tilespmem:$0x10480] =	vst v63  }
0x43: {  	_ =	swait.ge [sflag:s20], $0x1000  }
0x44: {  	[sflag:s20] =	ssyncset.done $0x0  }
0x45: {  	s9 =	rddreg [dreg:$0x8];
	[sflag:s20] =	ssyncadd.s32 $0xFFFFF000  }
0x46: {  	[tilespmem:s25], [sflag:$0x1] =	stream.linear.gather [hbm4b:s9+s2], $0x1000, $0x38;
	[tilespmem:$0x10480] =	vst v63  }
0x47: {  	_ =	swait.ge [sflag:s20], $0x1000  }
0x48: {  	[sflag:s20] =	ssyncset.done $0x0  }
0x49: {  	s1 =	simm.s32 $0x6000;
	s10 =	rddreg [dreg:$0x9];
	[sflag:s20] =	ssyncadd.s32 $0xFFFFF000  }
0x4a: {  	[tilespmem:s1], [sflag:$0x1] =	stream.linear.gather [hbm4b:s10+s2], $0x1000, $0x38;
	[tilespmem:$0x10480] =	vst v63  }
0x4b: {  	_ =	swait.ge [sflag:s20], $0x1000  }
0x4c: {  	[sflag:s20] =	ssyncset.done $0x0  }
0x4d: {  	s26 =	simm.s32 $0x7000;
	s11 =	rddreg [dreg:$0xa];
	[sflag:s20] =	ssyncadd.s32 $0xFFFFF000  }
0x4e: {  	[tilespmem:s26], [sflag:$0x1] =	stream.linear.gather [hbm4b:s11+s2], $0x80, $0x38;
	[tilespmem:$0x10480] =	vst v63  }
0x4f: {  	_ =	swait.ge [sflag:s20], $0x80  }
0x50: {  	[sflag:s20] =	ssyncset.done $0x0  }
0x51: {  	s29 =	simm.s32 $0x7080;
	s28 =	rddreg [dreg:$0xb];
	[sflag:s20] =	ssyncadd.s32 $0xFFFFFF80  }
0x52: {  	[tilespmem:s29], [sflag:$0x1] =	stream.linear.gather [hbm4b:s28+s2], $0x80, $0x38;
	[tilespmem:$0x10480] =	vst v63  }
0x53: {  	_ =	swait.ge [sflag:s20], $0x80  }
0x54: {  	[sflag:s20] =	ssyncset.done $0x0  }
0x55: {  	s31 =	simm.s32 $0x7100;
	[sflag:s20] =	ssyncadd.s32 $0xFFFFFF80  }
0x56: {  	[tilespmem:s31], [sflag:$0x1] =	stream.linear.gather [hbm4b:s12+s2], $0x80, $0x38;
	[tilespmem:$0x10480] =	vst v63  }
0x57: {  	_ =	swait.ge [sflag:s20], $0x80  }
0x58: {  	[sflag:s20] =	ssyncset.done $0x0  }
0x59: {  	s1 =	simm.s32 $0x0;
	[sflag:s20] =	ssyncadd.s32 $0xFFFFFF80  }
0x5a: {  	v3 =	vld [tilespmem:s1+$0x2000]  }
0x5b: {  	v5 =	vld [tilespmem:s1+$0x0]  }
0x5c: {  	v6 =	vld [tilespmem:s1+$0x1000];
	_ =	sdelay $0x2  }
0x5d: {  	s0 =	simm.s32 $0x10;
	v2 =	vshrl.u32 v3, $0x10  }
0x5e: {  	v4 =	vshrl.u32 v5, $0x10;
	v7 =	vand.u32 $0x1, v2;
	v2 =	vld [tilespmem:s0+$0x2000]  }
0x5f: {  	v9 =	vshrl.u32 v6, $0x10;
	v8 =	vand.u32 $0x1, v4;
	v4 =	vld [tilespmem:s0+$0x0];
	v3 =	vadd.s32 v7, v3  }
0x60: {  	v5 =	vadd.s32 v8, v5;
	v7 =	vand.u32 $0x1, v9;
	v8 =	vadd.s32 $0x7FFF, v3;
	v3 =	vld [tilespmem:s0+$0x1000]  }
0x61: {  	v5 =	vadd.s32 $0x7FFF, v5;
	v6 =	vadd.s32 v7, v6;
	v7 =	vand.u32 $0xFFFF0000, v8  }
0x62: {  	s3 =	simm.s32 $0x80;
	v5 =	vand.u32 $0xFFFF0000, v5;
	v6 =	vadd.s32 $0x7FFF, v6;
	[tilespmem:s1+$0x9200] =	vst v7  }
.LBB2_2:
0x63: {  	s4 =	sshra.s32 s3, $0x2;
	p0 =	sne.s32 s3, $0x3FC0;
	s3 =	sadd.s32 $0x40, s3;
	v11 =	vshrl.u32 v2, $0x10;
	[tilespmem:s1+$0x7200] =	vst v5;
	v9 =	vand.u32 $0xFFFF0000, v6;
	v6 =	vmov v2  }
.Ltmp2:
0x64: {  	v2 =	vld [tilespmem:s4+$0x2000];
	v8 =	vshrl.u32 v4, $0x10;
	v10 =	vand.u32 $0x1, v11;
	[tilespmem:s1+$0x8200] =	vst v9;
	v5 =	vmov v4;
	s1 =	smov.u32 s0;
	s0 =	smov.u32 s4;
	(pc) =	sbr.rel @p0 .LBB2_2-.Ltmp2, $4  }
0x65: {  	v4 =	vld [tilespmem:s0+$0x0];
	v8 =	vand.u32 $0x1, v8;
	v9 =	vshrl.u32 v3, $0x10;
	v6 =	vadd.s32 v10, v6;
	v7 =	vmovc v3  }
0x66: {  	v3 =	vld [tilespmem:s0+$0x1000];
	v5 =	vadd.s32 v8, v5;
	v8 =	vand.u32 $0x1, v9;
	v6 =	vadd.s32 $0x7FFF, v6  }
0x67: {  	v5 =	vadd.s32 $0x7FFF, v5;
	v7 =	vadd.s32 v8, v7;
	v8 =	vand.u32 $0xFFFF0000, v6  }
0x68: {  	v5 =	vand.u32 $0xFFFF0000, v5;
	v6 =	vadd.s32 $0x7FFF, v7;
	[tilespmem:s1+$0x9200] =	vst v8  }
0x69: {  	v7 =	vshrl.u32 v2, $0x10  }
0x6a: {  	v6 =	vand.u32 $0xFFFF0000, v6;
	v8 =	vshrl.u32 v4, $0x10;
	v7 =	vand.u32 $0x1, v7  }
0x6b: {  	v8 =	vand.u32 $0x1, v8;
	v2 =	vadd.s32 v7, v2;
	v61 =	vshrl.u32 v3, $0x10  }
0x6c: {  	[tilespmem:s1+$0x7200] =	vst v5;
	v62 =	vadd.s32 v8, v4;
	v63 =	vand.u32 $0x1, v61;
	v2 =	vadd.s32 $0x7FFF, v2  }
0x6d: {  	[tilespmem:s1+$0x8200] =	vst v6;
	v4 =	vadd.s32 $0x7FFF, v62;
	v3 =	vadd.s32 v63, v3;
	v2 =	vand.u32 $0xFFFF0000, v2  }
0x6e: {  	v4 =	vand.u32 $0xFFFF0000, v4;
	v3 =	vadd.s32 $0x7FFF, v3;
	[tilespmem:s0+$0x9200] =	vst v2  }
0x6f: {  	[tilespmem:s0+$0x7200] =	vst v4;
	v2 =	vand.u32 $0xFFFF0000, v3  }
0x70: {  	p0 =	por $0x1, $0x1;
	[tilespmem:s0+$0x8200] =	vst v2;
	s0 =	simm.s32 $0x0  }
.Ltmp3:
0x71: {  	v2 =	vld [tilespmem:s0+$0x7000];
	(pc) =	sbr.rel @!p0 .LBB2_5-.Ltmp3, $2  }
0x72: {  	_ =	sdelay $0x2  }
0x73: {  	s31 =	simm.s32 $0x0;
	s1 =	simm.s32 $0x40  }
.LBB2_4:
0x74: {  	s3 =	sshra.s32 s1, $0x2;
	p0 =	sne.s32 s1, $0x5C0;
	s1 =	sadd.s32 $0x40, s1;
	v3 =	vshrl.u32 v2, $0x10;
	v4 =	vmov v2  }
.Ltmp4:
0x75: {  	v2 =	vld [tilespmem:s3+$0x7000];
	v3 =	vand.u32 $0x1, v3;
	(pc) =	sbr.rel @p0 .LBB2_4-.Ltmp4, $4  }
0x76: {  	v3 =	vadd.s32 v3, v4  }
0x77: {  	v3 =	vadd.s32 $0x7FFF, v3  }
0x78: {  	v3 =	vand.u32 $0xFFFF0000, v3  }
0x79: {  	[tilespmem:s0+$0xA200] =	vst v3;
	s0 =	smov.u32 s3  }
.LBB2_5:
0x7a: {  	v3 =	vshrl.u32 v2, $0x10  }
.Ltmp5:
0x7b: {  	v3 =	vand.u32 $0x1, v3;
	(pc) =	sbr.rel .LBB2_6-.Ltmp5, $4  }
0x7c: {  	v2 =	vadd.s32 v3, v2  }
0x7d: {  	v2 =	vadd.s32 $0x7FFF, v2  }
0x7e: {  	v2 =	vand.u32 $0xFFFF0000, v2  }
0x7f: {  	[tilespmem:s0+$0xA200] =	vst v2  }
.LBB2_12:
0x80: {  	v5 =	vld [tilespmem:$0xA400];
	_ =	sdelay $0x4  }
0x81: {  	v6 =	vmov s3;
	v7 =	vbroadcast v5, $0x0  }
0x82: {  	vm0 =	vgt.s32 v6, v0  }
0x83: {  	v5 =	vsel vm0, v5, v7;
	_ =	sdelay $0x4  }
0x84: {  	v8 =	vld.idx.msk [tilespmem:v5+s2+$0x0], $0xffff  }
0x85: {  	v9 =	vld.idx.msk [tilespmem:v5+s21+$0x0], $0xffff  }
0x86: {  	v10 =	vld.idx.msk [tilespmem:v5+s22+$0x0], $0xffff  }
0x87: {  	v3 =	vbroadcast v3, $0x0  }
0x88: {  	v4 =	vbroadcast v4, $0x0  }
0x89: {  	v2 =	vbroadcast v2, $0x0;
	v8 =	vsub.f32 v8, v3  }
0x8a: {  	s0 =	sshll.u32 s31, $0x5;
	v9 =	vsub.f32 v9, v4  }
0x8b: {  	s1 =	sand.u32 $0xFE0, s0;
	v10 =	vsub.f32 v10, v2;
	[tilespmem:s0+$0xA480] =	vst v8  }
0x8c: {  	[tilespmem:s1+$0xB480] =	vst v9  }
0x8d: {  	[tilespmem:s1+$0xC480] =	vst v10  }
0x8e: {  	v8 =	vld.idx.msk [tilespmem:v5+s23+$0x0], $0xffff;
	_ =	sdelay $0x4  }
0x8f: {  	[tilespmem:s1+$0xD480] =	vst v8  }
0x90: {  	v8 =	vld.idx.msk [tilespmem:v5+s24+$0x0], $0xffff;
	_ =	sdelay $0x4  }
0x91: {  	[tilespmem:s1+$0xE480] =	vst v8  }
0x92: {  	v5 =	vld.idx.msk [tilespmem:v5+s25+$0x0], $0xffff;
	_ =	sdelay $0x4  }
0x93: {  	[tilespmem:s1+$0xF480] =	vst v5  }
0x94: {  	v5 =	vld [tilespmem:$0xA410];
	_ =	sdelay $0x3  }
0x95: {  	vm15 =	vgt.s32 v6, v1  }
0x96: {  	v5 =	vsel vm15, v5, v7;
	_ =	sdelay $0x4  }
0x97: {  	v63 =	vld.idx.msk [tilespmem:v5+s2+$0x0], $0xffff  }
0x98: {  	v7 =	vld.idx.msk [tilespmem:v5+s21+$0x0], $0xffff  }
0x99: {  	v8 =	vld.idx.msk [tilespmem:v5+s22+$0x0], $0xffff;
	_ =	sdelay $0x2  }
0x9a: {  	v3 =	vsub.f32 v63, v3  }
0x9b: {  	v4 =	vsub.f32 v7, v4  }
0x9c: {  	v2 =	vsub.f32 v8, v2;
	[tilespmem:s0+$0xA490] =	vst v3  }
0x9d: {  	[tilespmem:s0+$0xB490] =	vst v4  }
0x9e: {  	[tilespmem:s0+$0xC490] =	vst v2  }
0x9f: {  	v2 =	vld.idx.msk [tilespmem:v5+s23+$0x0], $0xffff;
	_ =	sdelay $0x4  }
0xa0: {  	[tilespmem:s0+$0xD490] =	vst v2  }
0xa1: {  	v2 =	vld.idx.msk [tilespmem:v5+s24+$0x0], $0xffff;
	_ =	sdelay $0x4  }
0xa2: {  	s31 =	sadd.s32 $0x1, s31;
	[tilespmem:s0+$0xE490] =	vst v2  }
0xa3: {  	p0 =	sne.s32 s31, $0x80;
	v2 =	vld.idx.msk [tilespmem:v5+s25+$0x0], $0xffff  }
.Ltmp6:
0xa4: {  	_ = 	snop;
	(pc) =	sbr.rel @!p0 .LBB2_13-.Ltmp6, $2  }
0xa5: {  	_ =	sdelay $0x2  }
0xa6: {  	[tilespmem:s0+$0xF490] =	vst v2  }
.LBB2_6:
0xa7: {  	v3 =	vld [tilespmem:s31+$0x7000]  }
0xa8: {  	v4 =	vld [tilespmem:s31+$0x7080]  }
0xa9: {  	v2 =	vld [tilespmem:s31+$0x7100];
	_ =	sdelay $0x2  }
0xaa: {  	(v2sf) =	vpush v3, $0x0  }
0xab: {  	(v2sf) =	vpush v4, $0x0  }
0xac: {  	(v2sf) =	vpush v2, $0x0;
	_ =	sdelay $0xc  }
0xad: {  	s0 =	spop (v2sf)  }
0xae: {  	s1 =	spop (v2sf);
	s0 =	smul.f32 s0, s0  }
0xaf: {  	s1 =	smul.f32 s1, s1;
	s3 =	spop (v2sf)  }
0xb0: {  	s26 =	smul.f32 s3, s3  }
.Ltmp7:
0xb1: {  	s0 =	sadd.f32 s1, s0;
	(pc) =	sbr.rel .LBB2_7-.Ltmp7, $4  }
0xb2: {  	_ = 	snop  }
0xb3: {  	v5 =	vld.msk [tilespmem:s31+$0xA200 ss:$0x0], $0xffff;
	s28 =	simm.s32 $0x6010;
	s29 =	simm.s32 $0x7200;
	s3 =	sadd.f32 s26, s0  }
0xb4: {  	v6 =	vld.msk [tilespmem:s31+$0xA280 ss:$0x0], $0xffff;
	s6 =	simm.s32 $0x0;
	s4 =	simm.s32 $0x0;
	s1 =	simm.s32 $0x8200  }
0xb5: {  	v7 =	vld.msk [tilespmem:s31+$0xA300 ss:$0x0], $0xffff;
	s0 =	simm.s32 $0x0;
	s26 =	simm.s32 $0x9210;
	v8 =	vmov s3;
	s3 =	simm.s32 $0x0  }
.LBB2_10:
0xb6: {  	s7 =	sadd.s32 s8, s29;
	v9 =	vld [tilespmem:s9+$0x0]  }
0xb7: {  	v10 =	vld [tilespmem:s7+$0x0]  }
0xb8: {  	s10 =	sadd.s32 s8, s26;
	v12 =	vld [tilespmem:s9+$0x10]  }
0xb9: {  	v11 =	vld [tilespmem:s10+$0xFFFFFFF0]  }
0xba: {  	v13 =	vld [tilespmem:s7+$0x10];
	_ =	sdelay $0x1  }
0xbb: {  	v14 =	vld [tilespmem:s10+$0x0];
	v9 =	vmul.f32 v9, v6;
	v10 =	vmul.f32 v10, v5;
	_ =	sdelay $0x1  }
0xbc: {  	v9 =	vadd.f32 v9, v10;
	v10 =	vmul.f32 v11, v7  }
0xbd: {  	v12 =	vmul.f32 v12, v6;
	v11 =	vmul.f32 v13, v5  }
0xbe: {  	s11 =	sadd.s32 s8, s28;
	v9 =	vadd.f32 v10, v9  }
0xbf: {  	v61 =	vmul.f32 v14, v7;
	v10 =	vld [tilespmem:s11+$0xFFFFFFF0];
	v11 =	vadd.f32 v12, v11  }
0xc0: {  	v9 =	vadd.f32 v9, v9  }
0xc1: {  	v11 =	vadd.f32 v61, v11  }
0xc2: {  	v62 =	vld [tilespmem:s11+$0x0];
	v9 =	vsub.f32 v8, v9  }
0xc3: {  	v11 =	vadd.f32 v11, v11  }
0xc4: {  	v9 =	vadd.f32 v9, v10  }
0xc5: {  	v10 =	vsub.f32 v8, v11  }
0xc6: {  	vm0 =	vle.f32 v9, $1.000000000e+00  }
0xc7: {  	v10 =	vadd.f32 v10, v62;
	v9 =	vmpcnt.ones.xlane vm0  }
0xc8: {  	s3 =	sadd.s32 $0x20, s3  }
0xc9: {  	v11 =	vor.u32 s3, v0;
	s3 =	sadd.s32 $0x10, s3;
	vm1 =	vle.f32 v10, $1.000000000e+00;
	(v2sf) =	vpush v9, $0x0  }
0xca: {  	v10 =	vor.u32 s3, v0;
	v9 =	vnsel vm0, $0x100000, v11;
	v11 =	vmpcnt.ones.xlane vm1  }
0xcb: {  	v10 =	vnsel vm1, $0x100000, v10;
	v63 =	vxor.u32 $0x80000000, v9  }
0xcc: {  	(xrf1) =	vsort.ascd.msk.u32 $0xffff, v63, v9;
	v9 =	vxor.u32 $0x80000000, v10;
	(v2sf) =	vpush v11, $0x0  }
0xcd: {  	(xrf1) =	vsort.ascd.msk.u32 $0xffff, v9, v10;
	_ =	sdelay $0xa  }
0xce: {  	p0 =	slt.s32 s5, $0x20;
	s3 =	spop (v2sf)  }
0xcf: {  	s7 =	smov.u32 s5;
	s3 =	simm.s32 @!p0 $0x0  }
0xd0: {  	s7 =	simm.s32 @!p0 $0x20;
	_, v9, _ =	vpop (xrf1);
	s3 =	sadd.s32 s5, s3  }
0xd1: {  	v9 =	vpsel !p0, $0x100000, v9;
	_, v10, _ =	vpop (xrf1);
	s5 =	spop (v2sf);
	p0 =	slt.s32 s3, $0x20;
	s8 =	smov.u32 s3  }
0xd2: {  	[tilespmem:s7+$0xA400] =	vst v9;
	v9 =	vpsel !p0, $0x100000, v10;
	s8 =	simm.s32 @!p0 $0x20;
	s5 =	simm.s32 @!p0 $0x0  }
0xd3: {  	[tilespmem:s8+$0xA400] =	vst v9;
	s3 =	sadd.s32 s3, s5  }
.LBB2_11:
0xd4: {  	s4 =	sadd.s32 $0x1, s4  }
0xd5: {  	p0 =	sne.s32 s4, $0x10  }
.Ltmp8:
0xd6: {  	_ = 	snop;
	(pc) =	sbr.rel @!p0 .LBB2_12-.Ltmp8, $3  }
0xd7: {  	_ =	sdelay $0x1  }
0xd8: {  	s6 =	sadd.s32 $0x100, s6;
	s1 =	sadd.s32 $0x100, s1  }
0xd9: {  	s26 =	sadd.s32 $0x100, s26;
	s28 =	sadd.s32 $0x100, s28;
	s29 =	sadd.s32 $0x100, s29  }
.LBB2_7:
0xda: {  	p0 =	sgt.s32 s3, $0x1F  }
.Ltmp9:
0xdb: {  	_ = 	snop;
	(pc) =	sbr.rel @p0 .LBB2_11-.Ltmp9, $1  }
0xdc: {  	_ =	sdelay $0x3  }
0xdd: {  	s5 =	sshra.s32 s0, $0x2  }
0xde: {  	s7 =	sadd.s32 s5, s1  }
0xdf: {  	s8 =	sadd.s32 s5, s29;
	v9 =	vld [tilespmem:s7+$0x0]  }
0xe0: {  	s9 =	sadd.s32 s5, s26;
	v10 =	vld [tilespmem:s8+$0x0]  }
0xe1: {  	v11 =	vld [tilespmem:s9+$0xFFFFFFF0]  }
0xe2: {  	v12 =	vld [tilespmem:s7+$0x10]  }
0xe3: {  	v13 =	vld [tilespmem:s8+$0x10];
	_ =	sdelay $0x1  }
0xe4: {  	v14 =	vld [tilespmem:s9+$0x0];
	v10 =	vmul.f32 v10, v5;
	v9 =	vmul.f32 v9, v6;
	_ =	sdelay $0x1  }
0xe5: {  	v9 =	vadd.f32 v9, v10;
	v10 =	vmul.f32 v11, v7  }
0xe6: {  	v12 =	vmul.f32 v12, v6;
	v11 =	vmul.f32 v13, v5  }
0xe7: {  	s5 =	sadd.s32 s5, s28;
	v9 =	vadd.f32 v10, v9  }
0xe8: {  	v61 =	vmul.f32 v14, v7;
	v10 =	vld [tilespmem:s5+$0xFFFFFFF0];
	v11 =	vadd.f32 v12, v11  }
0xe9: {  	v9 =	vadd.f32 v9, v9  }
0xea: {  	v11 =	vadd.f32 v61, v11  }
0xeb: {  	v62 =	vld [tilespmem:s5+$0x0];
	v9 =	vsub.f32 v8, v9  }
0xec: {  	v11 =	vadd.f32 v11, v11  }
0xed: {  	v9 =	vadd.f32 v9, v10  }
0xee: {  	v10 =	vsub.f32 v8, v11  }
0xef: {  	vm0 =	vle.f32 v9, $1.000000000e+00  }
0xf0: {  	v10 =	vadd.f32 v10, v62;
	v9 =	vmpcnt.ones.xlane vm0;
	_ =	sdelay $0x1  }
0xf1: {  	s10 =	sadd.s32 $0x10, s6;
	v11 =	vor.u32 s6, v0;
	vm1 =	vle.f32 v10, $1.000000000e+00;
	(v2sf) =	vpush v9, $0x0  }
0xf2: {  	v10 =	vor.u32 s10, v0;
	v9 =	vnsel vm0, $0x100000, v11;
	v11 =	vmpcnt.ones.xlane vm1  }
0xf3: {  	v10 =	vnsel vm1, $0x100000, v10;
	v63 =	vxor.u32 $0x80000000, v9  }
0xf4: {  	(xrf1) =	vsort.ascd.msk.u32 $0xffff, v63, v9;
	v9 =	vxor.u32 $0x80000000, v10;
	(v2sf) =	vpush v11, $0x0  }
0xf5: {  	(xrf1) =	vsort.ascd.msk.u32 $0xffff, v9, v10;
	_ =	sdelay $0xa  }
0xf6: {  	p0 =	slt.s32 s3, $0x20;
	s5 =	spop (v2sf)  }
0xf7: {  	s11 =	sadd.s32 $0x80, s0;
	s8 =	smov.u32 s3;
	s5 =	simm.s32 @!p0 $0x0  }
0xf8: {  	s7 =	sadd.s32 $0x80, s11;
	s8 =	simm.s32 @!p0 $0x20;
	_, v9, _ =	vpop (xrf1);
	s10 =	sadd.s32 s3, s5  }
0xf9: {  	v9 =	vpsel !p0, $0x100000, v9;
	_, v10, _ =	vpop (xrf1);
	s5 =	spop (v2sf);
	p0 =	slt.s32 s10, $0x20;
	s3 =	smov.u32 s10  }
0xfa: {  	[tilespmem:s8+$0xA400] =	vst v9;
	s8 =	sshra.s32 s11, $0x2;
	v9 =	vpsel !p0, $0x100000, v10;
	s3 =	simm.s32 @!p0 $0x20;
	s5 =	simm.s32 @!p0 $0x0  }
0xfb: {  	s9 =	sadd.s32 s8, s1;
	[tilespmem:s3+$0xA400] =	vst v9;
	s5 =	sadd.s32 s10, s5;
	s3 =	smov.u32 s6  }
.LBB2_9:
0xfc: {  	p0 =	sne.s32 s7, $0x380;
	s10 =	sadd.s32 s8, s29;
	v9 =	vld [tilespmem:s9+$0x0]  }
0xfd: {  	s11 =	sadd.s32 s8, s26;
	v10 =	vld [tilespmem:s10+$0x0]  }
0xfe: {  	v11 =	vld [tilespmem:s11+$0xFFFFFFF0]  }
0xff: {  	v12 =	vld [tilespmem:s9+$0x10]  }
0x100: {  	v13 =	vld [tilespmem:s10+$0x10];
	_ =	sdelay $0x1  }
0x101: {  	v9 =	vmul.f32 v9, v6;
	v10 =	vmul.f32 v10, v5;
	v14 =	vld [tilespmem:s11+$0x0];
	_ =	sdelay $0x1  }
0x102: {  	v9 =	vadd.f32 v9, v10;
	v10 =	vmul.f32 v11, v7  }
0x103: {  	v12 =	vmul.f32 v12, v6;
	v11 =	vmul.f32 v13, v5  }
0x104: {  	s8 =	sadd.s32 s8, s28;
	v9 =	vadd.f32 v10, v9  }
0x105: {  	v10 =	vld [tilespmem:s8+$0xFFFFFFF0];
	v11 =	vadd.f32 v12, v11;
	v12 =	vmul.f32 v14, v7  }
0x106: {  	v9 =	vadd.f32 v9, v9  }
0x107: {  	v11 =	vadd.f32 v12, v11  }
0x108: {  	v9 =	vsub.f32 v8, v9;
	v12 =	vld [tilespmem:s8+$0x0]  }
0x109: {  	v11 =	vadd.f32 v11, v11  }
0x10a: {  	v9 =	vadd.f32 v9, v10  }
0x10b: {  	v10 =	vsub.f32 v8, v11  }
0x10c: {  	s3 =	sadd.s32 $0x20, s3;
	vm0 =	vle.f32 v9, $1.000000000e+00  }
0x10d: {  	s8 =	sadd.s32 $0x10, s3;
	v9 =	vor.u32 s3, v0;
	v11 =	vmpcnt.ones.xlane vm0;
	v10 =	vadd.f32 v10, v12  }
0x10e: {  	v9 =	vnsel vm0, $0x100000, v9;
	v12 =	vor.u32 s8, v0  }
0x10f: {  	v13 =	vxor.u32 $0x80000000, v9;
	vm0 =	vle.f32 v10, $1.000000000e+00;
	(v2sf) =	vpush v11, $0x0  }
0x110: {  	v10 =	vnsel vm0, $0x100000, v12;
	v11 =	vmpcnt.ones.xlane vm0;
	(xrf1) =	vsort.ascd.msk.u32 $0xffff, v13, v9;
	_ =	sdelay $0x1  }
0x111: {  	v9 =	vxor.u32 $0x80000000, v10;
	(v2sf) =	vpush v11, $0x0  }
0x112: {  	(xrf1) =	vsort.ascd.msk.u32 $0xffff, v9, v10;
	_ =	sdelay $0xa  }
0x113: {  	p1 =	slt.s32 s5, $0x20;
	s9 =	smov.u32 s5;
	_, v9, _ =	vpop (xrf1);
	s8 =	spop (v2sf)  }
.Ltmp10:
0x114: {  	s9 =	simm.s32 @!p1 $0x20;
	v10 =	vpsel !p1, $0x100000, v9;
	s8 =	simm.s32 @!p1 $0x0;
	(pc) =	sbr.rel @p0 .LBB2_9-.Ltmp10, $4  }
0x115: {  	[tilespmem:s9+$0xA400] =	vst v10;
	s5 =	sadd.s32 s5, s8  }
0x116: {  	p1 =	slt.s32 s5, $0x20;
	_, v9, _ =	vpop (xrf1);
	s10 =	spop (v2sf);
	s11 =	smov.u32 s5  }
0x117: {  	s8 =	sshra.s32 s7, $0x2;
	v9 =	vpsel !p1, $0x100000, v9;
	s11 =	simm.s32 @!p1 $0x20;
	s10 =	simm.s32 @!p1 $0x0  }
0x118: {  	s7 =	sadd.s32 $0x80, s7;
	s9 =	sadd.s32 s8, s1;
	[tilespmem:s11+$0xA400] =	vst v9;
	s5 =	sadd.s32 s5, s10  }
.Ltmp11:
0x119: {  	_ = 	snop;
	(pc) =	sbr.rel .LBB2_10-.Ltmp11, $1  }
0x11a: {  	_ =	sdelay $0x3  }
.LBB2_14:
0x11b: {  	_ =	sfence.sel $0x180000  }
0x11c: {  	[bflag:$0x0] =	sbarrier.arrive $0xFFFF  }
0x11d: {  	_ =	strace $0x90000047  }
0x11e: {  	s0 =	stileid.u32;
	[bflag:$0x2] =	sbarrier.arrive $0xFFFF  }
0x11f: {  	p0 =	sne.s32 s0, $0x0;
	s0 =	rddreg [dreg:$0x2]  }
0x120: {  	s0 =	sadd.s32 @!p0 $0x100000, s0  }
0x121: {  	[sflag:s0] =	ssyncadd.tile.s32 @!p0 $0x1;
	_ =	shalt  }
.Lfunc_end2:
_tile_overlayer_lowered:
.L_overlay_start_2:
0x122: {  	(tag) =	ssettag $0x2  }
0x123: {  	s0 =	rddreg [dreg:$0x0];
	s2 =	stileid.u32  }
0x124: {  	s1 =	rddreg [dreg:$0x1];
	p0 =	sne.s32 s2, $0x0  }
0x125: {  	s3 =	rddreg [dreg:$0x2];
	[bflag:$0x3] =	sbarrier.arrive $0xFFFF;
	s2 =	simm.s32 @!p0 $0x1C01  }
0x126: {  	[timem:s3], [sflag:s2] =	dma.local @!p0 [hbm:s0], s1  }
0x127: {  	s0 =	simm.s32 @!p0 $0x1  }
0x128: {  	_ =	swait.ge @!p0 [sflag:s0], s1  }
0x129: {  	s1 =	ssub.s32 @!p0 $0x0, s1;
	[sflag:s0] =	ssyncset.done @!p0 $0x0  }
0x12a: {  	[sflag:s0] =	ssyncadd.s32 @!p0 s1  }
0x12b: {  	[bflag:$0x3] =	sbarrier.arrive $0xFFFF  }
0x12c: {  	_ =	shalt  }

</sc_bundles>
